<compile_context>
chip_gen: v7x
topology: tpu7x:2x2x1
jax: 0.10.2.dev20260603
libtpu: 0.0.44.dev20260713+nightly
codegen_flags: <defaults>
</compile_context>

<pallas_src>
import jax
import jax.numpy as jnp
from jax import lax
from jax.experimental import pallas as pl
from jax.experimental.pallas import tpu as pltpu
from jax.experimental.pallas import tpu_sc as plsc

F = 26
V1 = 100001
D = 32
B = 16384

NC = 2
NS = 16
L = 16
NW = NC * NS

CB = 4096
U = 8
FH = 13


def _body(xt_hbm, tabt_hbm, out_hbm, ib0, ib1, rowv, ob0, ob1,
          semr, semi0, semi1, semo0, semo1):
    s = lax.axis_index("s")
    d = s * NC + lax.axis_index("c")
    obs = (ob0, ob1)
    ibs = (ib0, ib1)
    semo = (semo0, semo1)
    semi = (semi0, semi1)

    def mega(base):
        def f_body(k, _):
            f = base + k
            cr = pltpu.async_copy(tabt_hbm.at[f, d], rowv, semr)
            cis = [None] * 4
            for h in (0, 1):
                cis[h] = pltpu.async_copy(
                    xt_hbm.at[f, pl.ds(h * CB, CB)], ibs[h], semi[h])
            cr.wait()

            for h in range(4):
                ob = obs[h % 2]
                ib = ibs[h % 2]
                cis[h].wait()

                @pl.when(f * 4 + h >= 2)
                def _(ob=ob, h=h):
                    pltpu.make_async_copy(
                        ob, out_hbm.at[f, d, pl.ds(h * CB, CB)],
                        semo[h % 2]).wait()

                def gstep(i, _, ib=ib, ob=ob):
                    base_i = i * (U * L)
                    idxs = [ib[pl.ds(base_i + u * L, L)] for u in range(U)]
                    vals = [plsc.load_gather(rowv, [ix]) for ix in idxs]
                    for u in range(U):
                        ob[pl.ds(base_i + u * L, L)] = vals[u]
                    return 0

                lax.fori_loop(0, CB // (U * L), gstep, 0)
                pltpu.async_copy(
                    ob, out_hbm.at[f, d, pl.ds(h * CB, CB)], semo[h % 2])
                if h + 2 < 4:
                    cis[h + 2] = pltpu.async_copy(
                        xt_hbm.at[f, pl.ds((h + 2) * CB, CB)],
                        ibs[h % 2], semi[h % 2])
            return 0

        lax.fori_loop(0, FH, f_body, 0)

    mega(0)
    mega(FH)
    for h in (2, 3):
        pltpu.make_async_copy(
            obs[h % 2], out_hbm.at[F - 1, d, pl.ds(h * CB, CB)],
            semo[h % 2]).wait()


@jax.jit
def kernel(x, tables):
    x_t = x.T
    tab_t = jnp.transpose(tables, (0, 2, 1))
    mesh = plsc.VectorSubcoreMesh(core_axis_name="c", subcore_axis_name="s",
                                  num_cores=NC, num_subcores=NS)
    out_t = pl.kernel(
        _body,
        out_type=jax.ShapeDtypeStruct((F, D, B), jnp.float32),
        mesh=mesh,
        scratch_types=[
            pltpu.VMEM((CB,), jnp.int32),
            pltpu.VMEM((CB,), jnp.int32),
            pltpu.VMEM((V1,), jnp.float32),
            pltpu.VMEM((CB,), jnp.float32),
            pltpu.VMEM((CB,), jnp.float32),
            pltpu.SemaphoreType.DMA,
            pltpu.SemaphoreType.DMA,
            pltpu.SemaphoreType.DMA,
            pltpu.SemaphoreType.DMA,
            pltpu.SemaphoreType.DMA,
        ],
        compiler_params=pltpu.CompilerParams(use_tc_tiling_on_sc=True,
                                             needs_layout_passes=False),
    )(x_t, tab_t)
    return jnp.transpose(out_t, (2, 0, 1))

# --- scband reference (transcript-rebuilt; emitter-appended) ---
"""Pipeline reference for scband-cat-embeddings-20598663151714 (READ-ONLY COPY).

The authoritative reference and input builder live on the scoring server;
editing this copy changes nothing except your own understanding.
"""

import jax, jax.numpy as jnp
import numpy as np

NUM_FIELDS = 26
VOCAB = 100000
EMB_DIM = 32
BATCH = 16384


def setup_inputs(seed: int = 0) -> dict:
    key = jax.random.key(seed)
    k_idx, k_tab = jax.random.split(key)
    x = jax.random.randint(k_idx, (BATCH, NUM_FIELDS), 0, VOCAB, dtype=jnp.int64 if jax.config.read('jax_enable_x64') else jnp.int32)
    x = x.astype(jnp.int32)
    # One embedding table per field, each of size (cardinality + 1, emb_dim), padding_idx=0.
    tables = jax.random.normal(k_tab, (NUM_FIELDS, VOCAB + 1, EMB_DIM), dtype=jnp.float32)
    tables = tables.at[:, 0, :].set(0.0)  # padding_idx=0 rows are zeros
    return {"x": x, "tables": tables}


def reference(x, tables):
    # Equivalent of: for each field i, out_i = embs[i](x[:, i]); stack along dim=1.
    # Gather: out[b, i, :] = tables[i, x[b, i], :]
    field_ids = jnp.arange(NUM_FIELDS)[None, :]  # [1, F]
    out = tables[field_ids, x]  # [B, F, D]
    return out

if __name__ == "__main__":
    import jax
    _d = setup_inputs()
    print(jax.jit(kernel)(*tuple(_d.values())))

</pallas_src>

<mosaic_0001>
#map = affine_map<(d0, d1) -> (0, 0)>
#map1 = affine_map<(d0, d1) -> (0, 0, 0)>
module attributes {stable_mosaic.version = 14 : i64} {
  func.func @_body(%arg0: i32, %arg1: i32, %arg2: memref<26x16384xi32, #tpu.memory_space<hbm>>, %arg3: memref<26x32x100001xf32, #tpu.memory_space<hbm>>, %arg4: memref<26x32x16384xf32, #tpu.memory_space<hbm>>, %arg5: memref<4096xi32, #tpu.memory_space<vmem>>, %arg6: memref<4096xi32, #tpu.memory_space<vmem>>, %arg7: memref<100001xf32, #tpu.memory_space<vmem>>, %arg8: memref<4096xf32, #tpu.memory_space<vmem>>, %arg9: memref<4096xf32, #tpu.memory_space<vmem>>, %arg10: memref<!tpu.dma_semaphore, #tpu.memory_space<semaphore_mem>>, %arg11: memref<!tpu.dma_semaphore, #tpu.memory_space<semaphore_mem>>, %arg12: memref<!tpu.dma_semaphore, #tpu.memory_space<semaphore_mem>>, %arg13: memref<!tpu.dma_semaphore, #tpu.memory_space<semaphore_mem>>, %arg14: memref<!tpu.dma_semaphore, #tpu.memory_space<semaphore_mem>>) attributes {dimension_semantics = [#tpu.dimension_semantics<core_parallel>, #tpu.dimension_semantics<subcore_parallel>], iteration_bounds = array<i64: 2, 16>, scalar_prefetch = 0 : i64, scratch_operands = 10 : i64, tpu.core_type = #tpu.core_type<sc_vector_subcore>, window_params = [{transform_indices = #map}, {transform_indices = #map1}, {transform_indices = #map1}]} {
    %mul3A = arith.constant 2 : i32
    %mul3A_0 = arith.muli %arg1, %mul3A : i32
    %add3A = arith.addi %mul3A_0, %arg0 : i32
    %scan3A = arith.constant 0 : i32
    %scan3A_1 = arith.constant 0 : i32
    %scan3A_2 = arith.constant 13 : i32
    %scan3A_3 = arith.addi %scan3A_1, %scan3A_2 : i32
    %scan3A_4 = arith.constant 1 : i32
    %scan3A_5 = scf.for %scan3A_27 = %scan3A_1 to %scan3A_3 step %scan3A_4 iter_args(%scan3A_28 = %scan3A) -> (i32)  : i32 {
      %add3A_29 = arith.constant 0 : i32
      %add3A_30 = arith.addi %add3A_29, %scan3A_27 : i32
      %dma_start3A = arith.constant 0 : i32
      %dma_start3A_31 = tpu.memref_slice %arg3[%add3A_30, %add3A, %dma_start3A] : memref<26x32x100001xf32, #tpu.memory_space<hbm>> -> memref<1x1x100001xf32, #tpu.memory_space<hbm>>
      %dma_start3A_32 = tpu.memref_squeeze %dma_start3A_31 : memref<1x1x100001xf32, #tpu.memory_space<hbm>> -> memref<100001xf32, #tpu.memory_space<hbm>>
      %dma_start3A_33 = arith.constant 0 : i32
      %dma_start3A_34 = tpu.memref_slice %arg3[%add3A_30, %add3A, %dma_start3A_33] : memref<26x32x100001xf32, #tpu.memory_space<hbm>> -> memref<1x1x100001xf32, #tpu.memory_space<hbm>>
      %dma_start3A_35 = tpu.memref_squeeze %dma_start3A_34 : memref<1x1x100001xf32, #tpu.memory_space<hbm>> -> memref<100001xf32, #tpu.memory_space<hbm>>
      tpu.enqueue_dma source(%dma_start3A_35 : memref<100001xf32, #tpu.memory_space<hbm>>) target(%arg7 : memref<100001xf32, #tpu.memory_space<vmem>>) target_semaphore(%arg10 : memref<!tpu.dma_semaphore, #tpu.memory_space<semaphore_mem>>)
      %dma_start3A_36 = arith.constant 0 : i32
      %dma_start3A_37 = tpu.memref_slice %arg2[%add3A_30, %dma_start3A_36] : memref<26x16384xi32, #tpu.memory_space<hbm>> -> memref<1x4096xi32, #tpu.memory_space<hbm>>
      %dma_start3A_38 = tpu.memref_squeeze %dma_start3A_37 : memref<1x4096xi32, #tpu.memory_space<hbm>> -> memref<4096xi32, #tpu.memory_space<hbm>>
      %dma_start3A_39 = arith.constant 0 : i32
      %dma_start3A_40 = tpu.memref_slice %arg2[%add3A_30, %dma_start3A_39] : memref<26x16384xi32, #tpu.memory_space<hbm>> -> memref<1x4096xi32, #tpu.memory_space<hbm>>
      %dma_start3A_41 = tpu.memref_squeeze %dma_start3A_40 : memref<1x4096xi32, #tpu.memory_space<hbm>> -> memref<4096xi32, #tpu.memory_space<hbm>>
      tpu.enqueue_dma source(%dma_start3A_41 : memref<4096xi32, #tpu.memory_space<hbm>>) target(%arg5 : memref<4096xi32, #tpu.memory_space<vmem>>) target_semaphore(%arg11 : memref<!tpu.dma_semaphore, #tpu.memory_space<semaphore_mem>>)
      %dma_start3A_42 = arith.constant 4096 : i32
      %dma_start3A_43 = tpu.memref_slice %arg2[%add3A_30, %dma_start3A_42] : memref<26x16384xi32, #tpu.memory_space<hbm>> -> memref<1x4096xi32, #tpu.memory_space<hbm>>
      %dma_start3A_44 = tpu.memref_squeeze %dma_start3A_43 : memref<1x4096xi32, #tpu.memory_space<hbm>> -> memref<4096xi32, #tpu.memory_space<hbm>>
      %dma_start3A_45 = arith.constant 4096 : i32
      %dma_start3A_46 = tpu.memref_slice %arg2[%add3A_30, %dma_start3A_45] : memref<26x16384xi32, #tpu.memory_space<hbm>> -> memref<1x4096xi32, #tpu.memory_space<hbm>>
      %dma_start3A_47 = tpu.memref_squeeze %dma_start3A_46 : memref<1x4096xi32, #tpu.memory_space<hbm>> -> memref<4096xi32, #tpu.memory_space<hbm>>
      tpu.enqueue_dma source(%dma_start3A_47 : memref<4096xi32, #tpu.memory_space<hbm>>) target(%arg6 : memref<4096xi32, #tpu.memory_space<vmem>>) target_semaphore(%arg12 : memref<!tpu.dma_semaphore, #tpu.memory_space<semaphore_mem>>)
      %dma_wait3A_48 = arith.constant 0 : i32
      %dma_wait3A_49 = tpu.memref_slice %arg3[%add3A_30, %add3A, %dma_wait3A_48] : memref<26x32x100001xf32, #tpu.memory_space<hbm>> -> memref<1x1x100001xf32, #tpu.memory_space<hbm>>
      %dma_wait3A_50 = tpu.memref_squeeze %dma_wait3A_49 : memref<1x1x100001xf32, #tpu.memory_space<hbm>> -> memref<100001xf32, #tpu.memory_space<hbm>>
      %dma_wait3A_51 = arith.constant 0 : i32
      %dma_wait3A_52 = tpu.memref_slice %arg3[%add3A_30, %add3A, %dma_wait3A_51] : memref<26x32x100001xf32, #tpu.memory_space<hbm>> -> memref<1x1x100001xf32, #tpu.memory_space<hbm>>
      %dma_wait3A_53 = tpu.memref_squeeze %dma_wait3A_52 : memref<1x1x100001xf32, #tpu.memory_space<hbm>> -> memref<100001xf32, #tpu.memory_space<hbm>>
      tpu.wait_dma2 semaphore(%arg10 : memref<!tpu.dma_semaphore, #tpu.memory_space<semaphore_mem>>) src(%dma_wait3A_53 : memref<100001xf32, #tpu.memory_space<hbm>>) dst(%arg7 : memref<100001xf32, #tpu.memory_space<vmem>>)
      %dma_wait3A_54 = arith.constant 0 : i32
      %dma_wait3A_55 = tpu.memref_slice %arg2[%add3A_30, %dma_wait3A_54] : memref<26x16384xi32, #tpu.memory_space<hbm>> -> memref<1x4096xi32, #tpu.memory_space<hbm>>
      %dma_wait3A_56 = tpu.memref_squeeze %dma_wait3A_55 : memref<1x4096xi32, #tpu.memory_space<hbm>> -> memref<4096xi32, #tpu.memory_space<hbm>>
      %dma_wait3A_57 = arith.constant 0 : i32
      %dma_wait3A_58 = tpu.memref_slice %arg2[%add3A_30, %dma_wait3A_57] : memref<26x16384xi32, #tpu.memory_space<hbm>> -> memref<1x4096xi32, #tpu.memory_space<hbm>>
      %dma_wait3A_59 = tpu.memref_squeeze %dma_wait3A_58 : memref<1x4096xi32, #tpu.memory_space<hbm>> -> memref<4096xi32, #tpu.memory_space<hbm>>
      tpu.wait_dma2 semaphore(%arg11 : memref<!tpu.dma_semaphore, #tpu.memory_space<semaphore_mem>>) src(%dma_wait3A_59 : memref<4096xi32, #tpu.memory_space<hbm>>) dst(%arg5 : memref<4096xi32, #tpu.memory_space<vmem>>)
      %mul3A_60 = arith.constant 4 : i32
      %mul3A_61 = arith.muli %add3A_30, %mul3A_60 : i32
      %add3A_62 = arith.constant 0 : i32
      %add3A_63 = arith.addi %mul3A_61, %add3A_62 : i32
      %ge3A = arith.constant 2 : i32
      %ge3A_64 = arith.cmpi sge, %add3A_63, %ge3A : i32
      %convert_element_type3A = arith.extui %ge3A_64 : i1 to i32
      %cond3A = arith.constant 0 : i32
      %cond3A_65 = arith.cmpi ne, %convert_element_type3A, %cond3A : i32
      scf.if %cond3A_65 {
        %dma_wait3A_176 = arith.constant 0 : i32
        %dma_wait3A_177 = tpu.memref_slice %arg4[%add3A_30, %add3A, %dma_wait3A_176] : memref<26x32x16384xf32, #tpu.memory_space<hbm>> -> memref<1x1x4096xf32, #tpu.memory_space<hbm>>
        %dma_wait3A_178 = tpu.memref_squeeze %dma_wait3A_177 : memref<1x1x4096xf32, #tpu.memory_space<hbm>> -> memref<4096xf32, #tpu.memory_space<hbm>>
        %dma_wait3A_179 = arith.constant 0 : i32
        %dma_wait3A_180 = tpu.memref_slice %arg4[%add3A_30, %add3A, %dma_wait3A_179] : memref<26x32x16384xf32, #tpu.memory_space<hbm>> -> memref<1x1x4096xf32, #tpu.memory_space<hbm>>
        %dma_wait3A_181 = tpu.memref_squeeze %dma_wait3A_180 : memref<1x1x4096xf32, #tpu.memory_space<hbm>> -> memref<4096xf32, #tpu.memory_space<hbm>>
        tpu.wait_dma2 semaphore(%arg13 : memref<!tpu.dma_semaphore, #tpu.memory_space<semaphore_mem>>) src(%arg8 : memref<4096xf32, #tpu.memory_space<vmem>>) dst(%dma_wait3A_181 : memref<4096xf32, #tpu.memory_space<hbm>>)
      } else {
      }
      %scan3A_66 = arith.constant 0 : i32
      %scan3A_67 = arith.constant 0 : i32
      %scan3A_68 = arith.constant 32 : i32
      %scan3A_69 = arith.addi %scan3A_67, %scan3A_68 : i32
      %scan3A_70 = arith.constant 1 : i32
      %scan3A_71 = scf.for %scan3A_176 = %scan3A_67 to %scan3A_69 step %scan3A_70 iter_args(%scan3A_177 = %scan3A_66) -> (i32)  : i32 {
        %mul3A_178 = arith.constant 128 : i32
        %mul3A_179 = arith.muli %scan3A_176, %mul3A_178 : i32
        %add3A_180 = arith.constant 0 : i32
        %add3A_181 = arith.addi %mul3A_179, %add3A_180 : i32
        %get3A = arith.index_cast %add3A_181 : i32 to index
        %get3A_182 = tpu.vector_load %arg5[%get3A] {strides = array<i32>} : memref<4096xi32, #tpu.memory_space<vmem>>, vector<16xi32>,
        %add3A_183 = arith.constant 16 : i32
        %add3A_184 = arith.addi %mul3A_179, %add3A_183 : i32
        %get3A_185 = arith.index_cast %add3A_184 : i32 to index
        %get3A_186 = tpu.vector_load %arg5[%get3A_185] {strides = array<i32>} : memref<4096xi32, #tpu.memory_space<vmem>>, vector<16xi32>,
        %add3A_187 = arith.constant 32 : i32
        %add3A_188 = arith.addi %mul3A_179, %add3A_187 : i32
        %get3A_189 = arith.index_cast %add3A_188 : i32 to index
        %get3A_190 = tpu.vector_load %arg5[%get3A_189] {strides = array<i32>} : memref<4096xi32, #tpu.memory_space<vmem>>, vector<16xi32>,
        %add3A_191 = arith.constant 48 : i32
        %add3A_192 = arith.addi %mul3A_179, %add3A_191 : i32
        %get3A_193 = arith.index_cast %add3A_192 : i32 to index
        %get3A_194 = tpu.vector_load %arg5[%get3A_193] {strides = array<i32>} : memref<4096xi32, #tpu.memory_space<vmem>>, vector<16xi32>,
        %add3A_195 = arith.constant 64 : i32
        %add3A_196 = arith.addi %mul3A_179, %add3A_195 : i32
        %get3A_197 = arith.index_cast %add3A_196 : i32 to index
        %get3A_198 = tpu.vector_load %arg5[%get3A_197] {strides = array<i32>} : memref<4096xi32, #tpu.memory_space<vmem>>, vector<16xi32>,
        %add3A_199 = arith.constant 80 : i32
        %add3A_200 = arith.addi %mul3A_179, %add3A_199 : i32
        %get3A_201 = arith.index_cast %add3A_200 : i32 to index
        %get3A_202 = tpu.vector_load %arg5[%get3A_201] {strides = array<i32>} : memref<4096xi32, #tpu.memory_space<vmem>>, vector<16xi32>,
        %add3A_203 = arith.constant 96 : i32
        %add3A_204 = arith.addi %mul3A_179, %add3A_203 : i32
        %get3A_205 = arith.index_cast %add3A_204 : i32 to index
        %get3A_206 = tpu.vector_load %arg5[%get3A_205] {strides = array<i32>} : memref<4096xi32, #tpu.memory_space<vmem>>, vector<16xi32>,
        %add3A_207 = arith.constant 112 : i32
        %add3A_208 = arith.addi %mul3A_179, %add3A_207 : i32
        %get3A_209 = arith.index_cast %add3A_208 : i32 to index
        %get3A_210 = tpu.vector_load %arg5[%get3A_209] {strides = array<i32>} : memref<4096xi32, #tpu.memory_space<vmem>>, vector<16xi32>,
        %gather3A = tpu.vector_load_idx %arg7[%get3A_182] : memref<100001xf32, #tpu.memory_space<vmem>>[vector<16xi32>], vector<16xf32>,
        %gather3A_211 = tpu.vector_load_idx %arg7[%get3A_186] : memref<100001xf32, #tpu.memory_space<vmem>>[vector<16xi32>], vector<16xf32>,
        %gather3A_212 = tpu.vector_load_idx %arg7[%get3A_190] : memref<100001xf32, #tpu.memory_space<vmem>>[vector<16xi32>], vector<16xf32>,
        %gather3A_213 = tpu.vector_load_idx %arg7[%get3A_194] : memref<100001xf32, #tpu.memory_space<vmem>>[vector<16xi32>], vector<16xf32>,
        %gather3A_214 = tpu.vector_load_idx %arg7[%get3A_198] : memref<100001xf32, #tpu.memory_space<vmem>>[vector<16xi32>], vector<16xf32>,
        %gather3A_215 = tpu.vector_load_idx %arg7[%get3A_202] : memref<100001xf32, #tpu.memory_space<vmem>>[vector<16xi32>], vector<16xf32>,
        %gather3A_216 = tpu.vector_load_idx %arg7[%get3A_206] : memref<100001xf32, #tpu.memory_space<vmem>>[vector<16xi32>], vector<16xf32>,
        %gather3A_217 = tpu.vector_load_idx %arg7[%get3A_210] : memref<100001xf32, #tpu.memory_space<vmem>>[vector<16xi32>], vector<16xf32>,
        %add3A_218 = arith.constant 0 : i32
        %add3A_219 = arith.addi %mul3A_179, %add3A_218 : i32
        %swap3A = arith.index_cast %add3A_219 : i32 to index
        %swap3A_220 = tpu.vector_load %arg8[%swap3A] {strides = array<i32>} : memref<4096xf32, #tpu.memory_space<vmem>>, vector<16xf32>,
        tpu.vector_store %arg8[%swap3A], %gather3A {strides = array<i32>} : memref<4096xf32, #tpu.memory_space<vmem>>, vector<16xf32>,
        %add3A_221 = arith.constant 16 : i32
        %add3A_222 = arith.addi %mul3A_179, %add3A_221 : i32
        %swap3A_223 = arith.index_cast %add3A_222 : i32 to index
        %swap3A_224 = tpu.vector_load %arg8[%swap3A_223] {strides = array<i32>} : memref<4096xf32, #tpu.memory_space<vmem>>, vector<16xf32>,
        tpu.vector_store %arg8[%swap3A_223], %gather3A_211 {strides = array<i32>} : memref<4096xf32, #tpu.memory_space<vmem>>, vector<16xf32>,
        %add3A_225 = arith.constant 32 : i32
        %add3A_226 = arith.addi %mul3A_179, %add3A_225 : i32
        %swap3A_227 = arith.index_cast %add3A_226 : i32 to index
        %swap3A_228 = tpu.vector_load %arg8[%swap3A_227] {strides = array<i32>} : memref<4096xf32, #tpu.memory_space<vmem>>, vector<16xf32>,
        tpu.vector_store %arg8[%swap3A_227], %gather3A_212 {strides = array<i32>} : memref<4096xf32, #tpu.memory_space<vmem>>, vector<16xf32>,
        %add3A_229 = arith.constant 48 : i32
        %add3A_230 = arith.addi %mul3A_179, %add3A_229 : i32
        %swap3A_231 = arith.index_cast %add3A_230 : i32 to index
        %swap3A_232 = tpu.vector_load %arg8[%swap3A_231] {strides = array<i32>} : memref<4096xf32, #tpu.memory_space<vmem>>, vector<16xf32>,
        tpu.vector_store %arg8[%swap3A_231], %gather3A_213 {strides = array<i32>} : memref<4096xf32, #tpu.memory_space<vmem>>, vector<16xf32>,
        %add3A_233 = arith.constant 64 : i32
        %add3A_234 = arith.addi %mul3A_179, %add3A_233 : i32
        %swap3A_235 = arith.index_cast %add3A_234 : i32 to index
        %swap3A_236 = tpu.vector_load %arg8[%swap3A_235] {strides = array<i32>} : memref<4096xf32, #tpu.memory_space<vmem>>, vector<16xf32>,
        tpu.vector_store %arg8[%swap3A_235], %gather3A_214 {strides = array<i32>} : memref<4096xf32, #tpu.memory_space<vmem>>, vector<16xf32>,
        %add3A_237 = arith.constant 80 : i32
        %add3A_238 = arith.addi %mul3A_179, %add3A_237 : i32
        %swap3A_239 = arith.index_cast %add3A_238 : i32 to index
        %swap3A_240 = tpu.vector_load %arg8[%swap3A_239] {strides = array<i32>} : memref<4096xf32, #tpu.memory_space<vmem>>, vector<16xf32>,
        tpu.vector_store %arg8[%swap3A_239], %gather3A_215 {strides = array<i32>} : memref<4096xf32, #tpu.memory_space<vmem>>, vector<16xf32>,
        %add3A_241 = arith.constant 96 : i32
        %add3A_242 = arith.addi %mul3A_179, %add3A_241 : i32
        %swap3A_243 = arith.index_cast %add3A_242 : i32 to index
        %swap3A_244 = tpu.vector_load %arg8[%swap3A_243] {strides = array<i32>} : memref<4096xf32, #tpu.memory_space<vmem>>, vector<16xf32>,
        tpu.vector_store %arg8[%swap3A_243], %gather3A_216 {strides = array<i32>} : memref<4096xf32, #tpu.memory_space<vmem>>, vector<16xf32>,
        %add3A_245 = arith.constant 112 : i32
        %add3A_246 = arith.addi %mul3A_179, %add3A_245 : i32
        %swap3A_247 = arith.index_cast %add3A_246 : i32 to index
        %swap3A_248 = tpu.vector_load %arg8[%swap3A_247] {strides = array<i32>} : memref<4096xf32, #tpu.memory_space<vmem>>, vector<16xf32>,
        tpu.vector_store %arg8[%swap3A_247], %gather3A_217 {strides = array<i32>} : memref<4096xf32, #tpu.memory_space<vmem>>, vector<16xf32>,
        %scan3A_249 = arith.constant 0 : i32
        scf.yield %scan3A_249 : i32
      }
      %scan3A_72 = arith.constant 32 : i32
      %dma_start3A_73 = arith.constant 0 : i32
      %dma_start3A_74 = tpu.memref_slice %arg4[%add3A_30, %add3A, %dma_start3A_73] : memref<26x32x16384xf32, #tpu.memory_space<hbm>> -> memref<1x1x4096xf32, #tpu.memory_space<hbm>>
      %dma_start3A_75 = tpu.memref_squeeze %dma_start3A_74 : memref<1x1x4096xf32, #tpu.memory_space<hbm>> -> memref<4096xf32, #tpu.memory_space<hbm>>
      %dma_start3A_76 = arith.constant 0 : i32
      %dma_start3A_77 = tpu.memref_slice %arg4[%add3A_30, %add3A, %dma_start3A_76] : memref<26x32x16384xf32, #tpu.memory_space<hbm>> -> memref<1x1x4096xf32, #tpu.memory_space<hbm>>
      %dma_start3A_78 = tpu.memref_squeeze %dma_start3A_77 : memref<1x1x4096xf32, #tpu.memory_space<hbm>> -> memref<4096xf32, #tpu.memory_space<hbm>>
      tpu.enqueue_dma source(%arg8 : memref<4096xf32, #tpu.memory_space<vmem>>) target(%dma_start3A_78 : memref<4096xf32, #tpu.memory_space<hbm>>) target_semaphore(%arg13 : memref<!tpu.dma_semaphore, #tpu.memory_space<semaphore_mem>>)
      %dma_start3A_79 = arith.constant 8192 : i32
      %dma_start3A_80 = tpu.memref_slice %arg2[%add3A_30, %dma_start3A_79] : memref<26x16384xi32, #tpu.memory_space<hbm>> -> memref<1x4096xi32, #tpu.memory_space<hbm>>
      %dma_start3A_81 = tpu.memref_squeeze %dma_start3A_80 : memref<1x4096xi32, #tpu.memory_space<hbm>> -> memref<4096xi32, #tpu.memory_space<hbm>>
      %dma_start3A_82 = arith.constant 8192 : i32
      %dma_start3A_83 = tpu.memref_slice %arg2[%add3A_30, %dma_start3A_82] : memref<26x16384xi32, #tpu.memory_space<hbm>> -> memref<1x4096xi32, #tpu.memory_space<hbm>>
      %dma_start3A_84 = tpu.memref_squeeze %dma_start3A_83 : memref<1x4096xi32, #tpu.memory_space<hbm>> -> memref<4096xi32, #tpu.memory_space<hbm>>
      tpu.enqueue_dma source(%dma_start3A_84 : memref<4096xi32, #tpu.memory_space<hbm>>) target(%arg5 : memref<4096xi32, #tpu.memory_space<vmem>>) target_semaphore(%arg11 : memref<!tpu.dma_semaphore, #tpu.memory_space<semaphore_mem>>)
      %dma_wait3A_85 = arith.constant 4096 : i32
      %dma_wait3A_86 = tpu.memref_slice %arg2[%add3A_30, %dma_wait3A_85] : memref<26x16384xi32, #tpu.memory_space<hbm>> -> memref<1x4096xi32, #tpu.memory_space<hbm>>
      %dma_wait3A_87 = tpu.memref_squeeze %dma_wait3A_86 : memref<1x4096xi32, #tpu.memory_space<hbm>> -> memref<4096xi32, #tpu.memory_space<hbm>>
      %dma_wait3A_88 = arith.constant 4096 : i32
      %dma_wait3A_89 = tpu.memref_slice %arg2[%add3A_30, %dma_wait3A_88] : memref<26x16384xi32, #tpu.memory_space<hbm>> -> memref<1x4096xi32, #tpu.memory_space<hbm>>
      %dma_wait3A_90 = tpu.memref_squeeze %dma_wait3A_89 : memref<1x4096xi32, #tpu.memory_space<hbm>> -> memref<4096xi32, #tpu.memory_space<hbm>>
      tpu.wait_dma2 semaphore(%arg12 : memref<!tpu.dma_semaphore, #tpu.memory_space<semaphore_mem>>) src(%dma_wait3A_90 : memref<4096xi32, #tpu.memory_space<hbm>>) dst(%arg6 : memref<4096xi32, #tpu.memory_space<vmem>>)
      %mul3A_91 = arith.constant 4 : i32
      %mul3A_92 = arith.muli %add3A_30, %mul3A_91 : i32
      %add3A_93 = arith.constant 1 : i32
      %add3A_94 = arith.addi %mul3A_92, %add3A_93 : i32
      %ge3A_95 = arith.constant 2 : i32
      %ge3A_96 = arith.cmpi sge, %add3A_94, %ge3A_95 : i32
      %convert_element_type3A_97 = arith.extui %ge3A_96 : i1 to i32
      %cond3A_98 = arith.constant 0 : i32
      %cond3A_99 = arith.cmpi ne, %convert_element_type3A_97, %cond3A_98 : i32
      scf.if %cond3A_99 {
        %dma_wait3A_176 = arith.constant 4096 : i32
        %dma_wait3A_177 = tpu.memref_slice %arg4[%add3A_30, %add3A, %dma_wait3A_176] : memref<26x32x16384xf32, #tpu.memory_space<hbm>> -> memref<1x1x4096xf32, #tpu.memory_space<hbm>>
        %dma_wait3A_178 = tpu.memref_squeeze %dma_wait3A_177 : memref<1x1x4096xf32, #tpu.memory_space<hbm>> -> memref<4096xf32, #tpu.memory_space<hbm>>
        %dma_wait3A_179 = arith.constant 4096 : i32
        %dma_wait3A_180 = tpu.memref_slice %arg4[%add3A_30, %add3A, %dma_wait3A_179] : memref<26x32x16384xf32, #tpu.memory_space<hbm>> -> memref<1x1x4096xf32, #tpu.memory_space<hbm>>
        %dma_wait3A_181 = tpu.memref_squeeze %dma_wait3A_180 : memref<1x1x4096xf32, #tpu.memory_space<hbm>> -> memref<4096xf32, #tpu.memory_space<hbm>>
        tpu.wait_dma2 semaphore(%arg14 : memref<!tpu.dma_semaphore, #tpu.memory_space<semaphore_mem>>) src(%arg9 : memref<4096xf32, #tpu.memory_space<vmem>>) dst(%dma_wait3A_181 : memref<4096xf32, #tpu.memory_space<hbm>>)
      } else {
      }
      %scan3A_100 = arith.constant 0 : i32
      %scan3A_101 = arith.constant 0 : i32
      %scan3A_102 = arith.constant 32 : i32
      %scan3A_103 = arith.addi %scan3A_101, %scan3A_102 : i32
      %scan3A_104 = arith.constant 1 : i32
      %scan3A_105 = scf.for %scan3A_176 = %scan3A_101 to %scan3A_103 step %scan3A_104 iter_args(%scan3A_177 = %scan3A_100) -> (i32)  : i32 {
        %mul3A_178 = arith.constant 128 : i32
        %mul3A_179 = arith.muli %scan3A_176, %mul3A_178 : i32
        %add3A_180 = arith.constant 0 : i32
        %add3A_181 = arith.addi %mul3A_179, %add3A_180 : i32
        %get3A = arith.index_cast %add3A_181 : i32 to index
        %get3A_182 = tpu.vector_load %arg6[%get3A] {strides = array<i32>} : memref<4096xi32, #tpu.memory_space<vmem>>, vector<16xi32>,
        %add3A_183 = arith.constant 16 : i32
        %add3A_184 = arith.addi %mul3A_179, %add3A_183 : i32
        %get3A_185 = arith.index_cast %add3A_184 : i32 to index
        %get3A_186 = tpu.vector_load %arg6[%get3A_185] {strides = array<i32>} : memref<4096xi32, #tpu.memory_space<vmem>>, vector<16xi32>,
        %add3A_187 = arith.constant 32 : i32
        %add3A_188 = arith.addi %mul3A_179, %add3A_187 : i32
        %get3A_189 = arith.index_cast %add3A_188 : i32 to index
        %get3A_190 = tpu.vector_load %arg6[%get3A_189] {strides = array<i32>} : memref<4096xi32, #tpu.memory_space<vmem>>, vector<16xi32>,
        %add3A_191 = arith.constant 48 : i32
        %add3A_192 = arith.addi %mul3A_179, %add3A_191 : i32
        %get3A_193 = arith.index_cast %add3A_192 : i32 to index
        %get3A_194 = tpu.vector_load %arg6[%get3A_193] {strides = array<i32>} : memref<4096xi32, #tpu.memory_space<vmem>>, vector<16xi32>,
        %add3A_195 = arith.constant 64 : i32
        %add3A_196 = arith.addi %mul3A_179, %add3A_195 : i32
        %get3A_197 = arith.index_cast %add3A_196 : i32 to index
        %get3A_198 = tpu.vector_load %arg6[%get3A_197] {strides = array<i32>} : memref<4096xi32, #tpu.memory_space<vmem>>, vector<16xi32>,
        %add3A_199 = arith.constant 80 : i32
        %add3A_200 = arith.addi %mul3A_179, %add3A_199 : i32
        %get3A_201 = arith.index_cast %add3A_200 : i32 to index
        %get3A_202 = tpu.vector_load %arg6[%get3A_201] {strides = array<i32>} : memref<4096xi32, #tpu.memory_space<vmem>>, vector<16xi32>,
        %add3A_203 = arith.constant 96 : i32
        %add3A_204 = arith.addi %mul3A_179, %add3A_203 : i32
        %get3A_205 = arith.index_cast %add3A_204 : i32 to index
        %get3A_206 = tpu.vector_load %arg6[%get3A_205] {strides = array<i32>} : memref<4096xi32, #tpu.memory_space<vmem>>, vector<16xi32>,
        %add3A_207 = arith.constant 112 : i32
        %add3A_208 = arith.addi %mul3A_179, %add3A_207 : i32
        %get3A_209 = arith.index_cast %add3A_208 : i32 to index
        %get3A_210 = tpu.vector_load %arg6[%get3A_209] {strides = array<i32>} : memref<4096xi32, #tpu.memory_space<vmem>>, vector<16xi32>,
        %gather3A = tpu.vector_load_idx %arg7[%get3A_182] : memref<100001xf32, #tpu.memory_space<vmem>>[vector<16xi32>], vector<16xf32>,
        %gather3A_211 = tpu.vector_load_idx %arg7[%get3A_186] : memref<100001xf32, #tpu.memory_space<vmem>>[vector<16xi32>], vector<16xf32>,
        %gather3A_212 = tpu.vector_load_idx %arg7[%get3A_190] : memref<100001xf32, #tpu.memory_space<vmem>>[vector<16xi32>], vector<16xf32>,
        %gather3A_213 = tpu.vector_load_idx %arg7[%get3A_194] : memref<100001xf32, #tpu.memory_space<vmem>>[vector<16xi32>], vector<16xf32>,
        %gather3A_214 = tpu.vector_load_idx %arg7[%get3A_198] : memref<100001xf32, #tpu.memory_space<vmem>>[vector<16xi32>], vector<16xf32>,
        %gather3A_215 = tpu.vector_load_idx %arg7[%get3A_202] : memref<100001xf32, #tpu.memory_space<vmem>>[vector<16xi32>], vector<16xf32>,
        %gather3A_216 = tpu.vector_load_idx %arg7[%get3A_206] : memref<100001xf32, #tpu.memory_space<vmem>>[vector<16xi32>], vector<16xf32>,
        %gather3A_217 = tpu.vector_load_idx %arg7[%get3A_210] : memref<100001xf32, #tpu.memory_space<vmem>>[vector<16xi32>], vector<16xf32>,
        %add3A_218 = arith.constant 0 : i32
        %add3A_219 = arith.addi %mul3A_179, %add3A_218 : i32
        %swap3A = arith.index_cast %add3A_219 : i32 to index
        %swap3A_220 = tpu.vector_load %arg9[%swap3A] {strides = array<i32>} : memref<4096xf32, #tpu.memory_space<vmem>>, vector<16xf32>,
        tpu.vector_store %arg9[%swap3A], %gather3A {strides = array<i32>} : memref<4096xf32, #tpu.memory_space<vmem>>, vector<16xf32>,
        %add3A_221 = arith.constant 16 : i32
        %add3A_222 = arith.addi %mul3A_179, %add3A_221 : i32
        %swap3A_223 = arith.index_cast %add3A_222 : i32 to index
        %swap3A_224 = tpu.vector_load %arg9[%swap3A_223] {strides = array<i32>} : memref<4096xf32, #tpu.memory_space<vmem>>, vector<16xf32>,
        tpu.vector_store %arg9[%swap3A_223], %gather3A_211 {strides = array<i32>} : memref<4096xf32, #tpu.memory_space<vmem>>, vector<16xf32>,
        %add3A_225 = arith.constant 32 : i32
        %add3A_226 = arith.addi %mul3A_179, %add3A_225 : i32
        %swap3A_227 = arith.index_cast %add3A_226 : i32 to index
        %swap3A_228 = tpu.vector_load %arg9[%swap3A_227] {strides = array<i32>} : memref<4096xf32, #tpu.memory_space<vmem>>, vector<16xf32>,
        tpu.vector_store %arg9[%swap3A_227], %gather3A_212 {strides = array<i32>} : memref<4096xf32, #tpu.memory_space<vmem>>, vector<16xf32>,
        %add3A_229 = arith.constant 48 : i32
        %add3A_230 = arith.addi %mul3A_179, %add3A_229 : i32
        %swap3A_231 = arith.index_cast %add3A_230 : i32 to index
        %swap3A_232 = tpu.vector_load %arg9[%swap3A_231] {strides = array<i32>} : memref<4096xf32, #tpu.memory_space<vmem>>, vector<16xf32>,
        tpu.vector_store %arg9[%swap3A_231], %gather3A_213 {strides = array<i32>} : memref<4096xf32, #tpu.memory_space<vmem>>, vector<16xf32>,
        %add3A_233 = arith.constant 64 : i32
        %add3A_234 = arith.addi %mul3A_179, %add3A_233 : i32
        %swap3A_235 = arith.index_cast %add3A_234 : i32 to index
        %swap3A_236 = tpu.vector_load %arg9[%swap3A_235] {strides = array<i32>} : memref<4096xf32, #tpu.memory_space<vmem>>, vector<16xf32>,
        tpu.vector_store %arg9[%swap3A_235], %gather3A_214 {strides = array<i32>} : memref<4096xf32, #tpu.memory_space<vmem>>, vector<16xf32>,
        %add3A_237 = arith.constant 80 : i32
        %add3A_238 = arith.addi %mul3A_179, %add3A_237 : i32
        %swap3A_239 = arith.index_cast %add3A_238 : i32 to index
        %swap3A_240 = tpu.vector_load %arg9[%swap3A_239] {strides = array<i32>} : memref<4096xf32, #tpu.memory_space<vmem>>, vector<16xf32>,
        tpu.vector_store %arg9[%swap3A_239], %gather3A_215 {strides = array<i32>} : memref<4096xf32, #tpu.memory_space<vmem>>, vector<16xf32>,
        %add3A_241 = arith.constant 96 : i32
        %add3A_242 = arith.addi %mul3A_179, %add3A_241 : i32
        %swap3A_243 = arith.index_cast %add3A_242 : i32 to index
        %swap3A_244 = tpu.vector_load %arg9[%swap3A_243] {strides = array<i32>} : memref<4096xf32, #tpu.memory_space<vmem>>, vector<16xf32>,
        tpu.vector_store %arg9[%swap3A_243], %gather3A_216 {strides = array<i32>} : memref<4096xf32, #tpu.memory_space<vmem>>, vector<16xf32>,
        %add3A_245 = arith.constant 112 : i32
        %add3A_246 = arith.addi %mul3A_179, %add3A_245 : i32
        %swap3A_247 = arith.index_cast %add3A_246 : i32 to index
        %swap3A_248 = tpu.vector_load %arg9[%swap3A_247] {strides = array<i32>} : memref<4096xf32, #tpu.memory_space<vmem>>, vector<16xf32>,
        tpu.vector_store %arg9[%swap3A_247], %gather3A_217 {strides = array<i32>} : memref<4096xf32, #tpu.memory_space<vmem>>, vector<16xf32>,
        %scan3A_249 = arith.constant 0 : i32
        scf.yield %scan3A_249 : i32
      }
      %scan3A_106 = arith.constant 32 : i32
      %dma_start3A_107 = arith.constant 4096 : i32
      %dma_start3A_108 = tpu.memref_slice %arg4[%add3A_30, %add3A, %dma_start3A_107] : memref<26x32x16384xf32, #tpu.memory_space<hbm>> -> memref<1x1x4096xf32, #tpu.memory_space<hbm>>
      %dma_start3A_109 = tpu.memref_squeeze %dma_start3A_108 : memref<1x1x4096xf32, #tpu.memory_space<hbm>> -> memref<4096xf32, #tpu.memory_space<hbm>>
      %dma_start3A_110 = arith.constant 4096 : i32
      %dma_start3A_111 = tpu.memref_slice %arg4[%add3A_30, %add3A, %dma_start3A_110] : memref<26x32x16384xf32, #tpu.memory_space<hbm>> -> memref<1x1x4096xf32, #tpu.memory_space<hbm>>
      %dma_start3A_112 = tpu.memref_squeeze %dma_start3A_111 : memref<1x1x4096xf32, #tpu.memory_space<hbm>> -> memref<4096xf32, #tpu.memory_space<hbm>>
      tpu.enqueue_dma source(%arg9 : memref<4096xf32, #tpu.memory_space<vmem>>) target(%dma_start3A_112 : memref<4096xf32, #tpu.memory_space<hbm>>) target_semaphore(%arg14 : memref<!tpu.dma_semaphore, #tpu.memory_space<semaphore_mem>>)
      %dma_start3A_113 = arith.constant 12288 : i32
      %dma_start3A_114 = tpu.memref_slice %arg2[%add3A_30, %dma_start3A_113] : memref<26x16384xi32, #tpu.memory_space<hbm>> -> memref<1x4096xi32, #tpu.memory_space<hbm>>
      %dma_start3A_115 = tpu.memref_squeeze %dma_start3A_114 : memref<1x4096xi32, #tpu.memory_space<hbm>> -> memref<4096xi32, #tpu.memory_space<hbm>>
      %dma_start3A_116 = arith.constant 12288 : i32
      %dma_start3A_117 = tpu.memref_slice %arg2[%add3A_30, %dma_start3A_116] : memref<26x16384xi32, #tpu.memory_space<hbm>> -> memref<1x4096xi32, #tpu.memory_space<hbm>>
      %dma_start3A_118 = tpu.memref_squeeze %dma_start3A_117 : memref<1x4096xi32, #tpu.memory_space<hbm>> -> memref<4096xi32, #tpu.memory_space<hbm>>
      tpu.enqueue_dma source(%dma_start3A_118 : memref<4096xi32, #tpu.memory_space<hbm>>) target(%arg6 : memref<4096xi32, #tpu.memory_space<vmem>>) target_semaphore(%arg12 : memref<!tpu.dma_semaphore, #tpu.memory_space<semaphore_mem>>)
      %dma_wait3A_119 = arith.constant 8192 : i32
      %dma_wait3A_120 = tpu.memref_slice %arg2[%add3A_30, %dma_wait3A_119] : memref<26x16384xi32, #tpu.memory_space<hbm>> -> memref<1x4096xi32, #tpu.memory_space<hbm>>
      %dma_wait3A_121 = tpu.memref_squeeze %dma_wait3A_120 : memref<1x4096xi32, #tpu.memory_space<hbm>> -> memref<4096xi32, #tpu.memory_space<hbm>>
      %dma_wait3A_122 = arith.constant 8192 : i32
      %dma_wait3A_123 = tpu.memref_slice %arg2[%add3A_30, %dma_wait3A_122] : memref<26x16384xi32, #tpu.memory_space<hbm>> -> memref<1x4096xi32, #tpu.memory_space<hbm>>
      %dma_wait3A_124 = tpu.memref_squeeze %dma_wait3A_123 : memref<1x4096xi32, #tpu.memory_space<hbm>> -> memref<4096xi32, #tpu.memory_space<hbm>>
      tpu.wait_dma2 semaphore(%arg11 : memref<!tpu.dma_semaphore, #tpu.memory_space<semaphore_mem>>) src(%dma_wait3A_124 : memref<4096xi32, #tpu.memory_space<hbm>>) dst(%arg5 : memref<4096xi32, #tpu.memory_space<vmem>>)
      %mul3A_125 = arith.constant 4 : i32
      %mul3A_126 = arith.muli %add3A_30, %mul3A_125 : i32
      %add3A_127 = arith.constant 2 : i32
      %add3A_128 = arith.addi %mul3A_126, %add3A_127 : i32
      %ge3A_129 = arith.constant 2 : i32
      %ge3A_130 = arith.cmpi sge, %add3A_128, %ge3A_129 : i32
      %convert_element_type3A_131 = arith.extui %ge3A_130 : i1 to i32
      %cond3A_132 = arith.constant 0 : i32
      %cond3A_133 = arith.cmpi ne, %convert_element_type3A_131, %cond3A_132 : i32
      scf.if %cond3A_133 {
        %dma_wait3A_176 = arith.constant 8192 : i32
        %dma_wait3A_177 = tpu.memref_slice %arg4[%add3A_30, %add3A, %dma_wait3A_176] : memref<26x32x16384xf32, #tpu.memory_space<hbm>> -> memref<1x1x4096xf32, #tpu.memory_space<hbm>>
        %dma_wait3A_178 = tpu.memref_squeeze %dma_wait3A_177 : memref<1x1x4096xf32, #tpu.memory_space<hbm>> -> memref<4096xf32, #tpu.memory_space<hbm>>
        %dma_wait3A_179 = arith.constant 8192 : i32
        %dma_wait3A_180 = tpu.memref_slice %arg4[%add3A_30, %add3A, %dma_wait3A_179] : memref<26x32x16384xf32, #tpu.memory_space<hbm>> -> memref<1x1x4096xf32, #tpu.memory_space<hbm>>
        %dma_wait3A_181 = tpu.memref_squeeze %dma_wait3A_180 : memref<1x1x4096xf32, #tpu.memory_space<hbm>> -> memref<4096xf32, #tpu.memory_space<hbm>>
        tpu.wait_dma2 semaphore(%arg13 : memref<!tpu.dma_semaphore, #tpu.memory_space<semaphore_mem>>) src(%arg8 : memref<4096xf32, #tpu.memory_space<vmem>>) dst(%dma_wait3A_181 : memref<4096xf32, #tpu.memory_space<hbm>>)
      } else {
      }
      %scan3A_134 = arith.constant 0 : i32
      %scan3A_135 = arith.constant 0 : i32
      %scan3A_136 = arith.constant 32 : i32
      %scan3A_137 = arith.addi %scan3A_135, %scan3A_136 : i32
      %scan3A_138 = arith.constant 1 : i32
      %scan3A_139 = scf.for %scan3A_176 = %scan3A_135 to %scan3A_137 step %scan3A_138 iter_args(%scan3A_177 = %scan3A_134) -> (i32)  : i32 {
        %mul3A_178 = arith.constant 128 : i32
        %mul3A_179 = arith.muli %scan3A_176, %mul3A_178 : i32
        %add3A_180 = arith.constant 0 : i32
        %add3A_181 = arith.addi %mul3A_179, %add3A_180 : i32
        %get3A = arith.index_cast %add3A_181 : i32 to index
        %get3A_182 = tpu.vector_load %arg5[%get3A] {strides = array<i32>} : memref<4096xi32, #tpu.memory_space<vmem>>, vector<16xi32>,
        %add3A_183 = arith.constant 16 : i32
        %add3A_184 = arith.addi %mul3A_179, %add3A_183 : i32
        %get3A_185 = arith.index_cast %add3A_184 : i32 to index
        %get3A_186 = tpu.vector_load %arg5[%get3A_185] {strides = array<i32>} : memref<4096xi32, #tpu.memory_space<vmem>>, vector<16xi32>,
        %add3A_187 = arith.constant 32 : i32
        %add3A_188 = arith.addi %mul3A_179, %add3A_187 : i32
        %get3A_189 = arith.index_cast %add3A_188 : i32 to index
        %get3A_190 = tpu.vector_load %arg5[%get3A_189] {strides = array<i32>} : memref<4096xi32, #tpu.memory_space<vmem>>, vector<16xi32>,
        %add3A_191 = arith.constant 48 : i32
        %add3A_192 = arith.addi %mul3A_179, %add3A_191 : i32
        %get3A_193 = arith.index_cast %add3A_192 : i32 to index
        %get3A_194 = tpu.vector_load %arg5[%get3A_193] {strides = array<i32>} : memref<4096xi32, #tpu.memory_space<vmem>>, vector<16xi32>,
        %add3A_195 = arith.constant 64 : i32
        %add3A_196 = arith.addi %mul3A_179, %add3A_195 : i32
        %get3A_197 = arith.index_cast %add3A_196 : i32 to index
        %get3A_198 = tpu.vector_load %arg5[%get3A_197] {strides = array<i32>} : memref<4096xi32, #tpu.memory_space<vmem>>, vector<16xi32>,
        %add3A_199 = arith.constant 80 : i32
        %add3A_200 = arith.addi %mul3A_179, %add3A_199 : i32
        %get3A_201 = arith.index_cast %add3A_200 : i32 to index
        %get3A_202 = tpu.vector_load %arg5[%get3A_201] {strides = array<i32>} : memref<4096xi32, #tpu.memory_space<vmem>>, vector<16xi32>,
        %add3A_203 = arith.constant 96 : i32
        %add3A_204 = arith.addi %mul3A_179, %add3A_203 : i32
        %get3A_205 = arith.index_cast %add3A_204 : i32 to index
        %get3A_206 = tpu.vector_load %arg5[%get3A_205] {strides = array<i32>} : memref<4096xi32, #tpu.memory_space<vmem>>, vector<16xi32>,
        %add3A_207 = arith.constant 112 : i32
        %add3A_208 = arith.addi %mul3A_179, %add3A_207 : i32
        %get3A_209 = arith.index_cast %add3A_208 : i32 to index
        %get3A_210 = tpu.vector_load %arg5[%get3A_209] {strides = array<i32>} : memref<4096xi32, #tpu.memory_space<vmem>>, vector<16xi32>,
        %gather3A = tpu.vector_load_idx %arg7[%get3A_182] : memref<100001xf32, #tpu.memory_space<vmem>>[vector<16xi32>], vector<16xf32>,
        %gather3A_211 = tpu.vector_load_idx %arg7[%get3A_186] : memref<100001xf32, #tpu.memory_space<vmem>>[vector<16xi32>], vector<16xf32>,
        %gather3A_212 = tpu.vector_load_idx %arg7[%get3A_190] : memref<100001xf32, #tpu.memory_space<vmem>>[vector<16xi32>], vector<16xf32>,
        %gather3A_213 = tpu.vector_load_idx %arg7[%get3A_194] : memref<100001xf32, #tpu.memory_space<vmem>>[vector<16xi32>], vector<16xf32>,
        %gather3A_214 = tpu.vector_load_idx %arg7[%get3A_198] : memref<100001xf32, #tpu.memory_space<vmem>>[vector<16xi32>], vector<16xf32>,
        %gather3A_215 = tpu.vector_load_idx %arg7[%get3A_202] : memref<100001xf32, #tpu.memory_space<vmem>>[vector<16xi32>], vector<16xf32>,
        %gather3A_216 = tpu.vector_load_idx %arg7[%get3A_206] : memref<100001xf32, #tpu.memory_space<vmem>>[vector<16xi32>], vector<16xf32>,
        %gather3A_217 = tpu.vector_load_idx %arg7[%get3A_210] : memref<100001xf32, #tpu.memory_space<vmem>>[vector<16xi32>], vector<16xf32>,
        %add3A_218 = arith.constant 0 : i32
        %add3A_219 = arith.addi %mul3A_179, %add3A_218 : i32
        %swap3A = arith.index_cast %add3A_219 : i32 to index
        %swap3A_220 = tpu.vector_load %arg8[%swap3A] {strides = array<i32>} : memref<4096xf32, #tpu.memory_space<vmem>>, vector<16xf32>,
        tpu.vector_store %arg8[%swap3A], %gather3A {strides = array<i32>} : memref<4096xf32, #tpu.memory_space<vmem>>, vector<16xf32>,
        %add3A_221 = arith.constant 16 : i32
        %add3A_222 = arith.addi %mul3A_179, %add3A_221 : i32
        %swap3A_223 = arith.index_cast %add3A_222 : i32 to index
        %swap3A_224 = tpu.vector_load %arg8[%swap3A_223] {strides = array<i32>} : memref<4096xf32, #tpu.memory_space<vmem>>, vector<16xf32>,
        tpu.vector_store %arg8[%swap3A_223], %gather3A_211 {strides = array<i32>} : memref<4096xf32, #tpu.memory_space<vmem>>, vector<16xf32>,
        %add3A_225 = arith.constant 32 : i32
        %add3A_226 = arith.addi %mul3A_179, %add3A_225 : i32
        %swap3A_227 = arith.index_cast %add3A_226 : i32 to index
        %swap3A_228 = tpu.vector_load %arg8[%swap3A_227] {strides = array<i32>} : memref<4096xf32, #tpu.memory_space<vmem>>, vector<16xf32>,
        tpu.vector_store %arg8[%swap3A_227], %gather3A_212 {strides = array<i32>} : memref<4096xf32, #tpu.memory_space<vmem>>, vector<16xf32>,
        %add3A_229 = arith.constant 48 : i32
        %add3A_230 = arith.addi %mul3A_179, %add3A_229 : i32
        %swap3A_231 = arith.index_cast %add3A_230 : i32 to index
        %swap3A_232 = tpu.vector_load %arg8[%swap3A_231] {strides = array<i32>} : memref<4096xf32, #tpu.memory_space<vmem>>, vector<16xf32>,
        tpu.vector_store %arg8[%swap3A_231], %gather3A_213 {strides = array<i32>} : memref<4096xf32, #tpu.memory_space<vmem>>, vector<16xf32>,
        %add3A_233 = arith.constant 64 : i32
        %add3A_234 = arith.addi %mul3A_179, %add3A_233 : i32
        %swap3A_235 = arith.index_cast %add3A_234 : i32 to index
        %swap3A_236 = tpu.vector_load %arg8[%swap3A_235] {strides = array<i32>} : memref<4096xf32, #tpu.memory_space<vmem>>, vector<16xf32>,
        tpu.vector_store %arg8[%swap3A_235], %gather3A_214 {strides = array<i32>} : memref<4096xf32, #tpu.memory_space<vmem>>, vector<16xf32>,
        %add3A_237 = arith.constant 80 : i32
        %add3A_238 = arith.addi %mul3A_179, %add3A_237 : i32
        %swap3A_239 = arith.index_cast %add3A_238 : i32 to index
        %swap3A_240 = tpu.vector_load %arg8[%swap3A_239] {strides = array<i32>} : memref<4096xf32, #tpu.memory_space<vmem>>, vector<16xf32>,
        tpu.vector_store %arg8[%swap3A_239], %gather3A_215 {strides = array<i32>} : memref<4096xf32, #tpu.memory_space<vmem>>, vector<16xf32>,
        %add3A_241 = arith.constant 96 : i32
        %add3A_242 = arith.addi %mul3A_179, %add3A_241 : i32
        %swap3A_243 = arith.index_cast %add3A_242 : i32 to index
        %swap3A_244 = tpu.vector_load %arg8[%swap3A_243] {strides = array<i32>} : memref<4096xf32, #tpu.memory_space<vmem>>, vector<16xf32>,
        tpu.vector_store %arg8[%swap3A_243], %gather3A_216 {strides = array<i32>} : memref<4096xf32, #tpu.memory_space<vmem>>, vector<16xf32>,
        %add3A_245 = arith.constant 112 : i32
        %add3A_246 = arith.addi %mul3A_179, %add3A_245 : i32
        %swap3A_247 = arith.index_cast %add3A_246 : i32 to index
        %swap3A_248 = tpu.vector_load %arg8[%swap3A_247] {strides = array<i32>} : memref<4096xf32, #tpu.memory_space<vmem>>, vector<16xf32>,
        tpu.vector_store %arg8[%swap3A_247], %gather3A_217 {strides = array<i32>} : memref<4096xf32, #tpu.memory_space<vmem>>, vector<16xf32>,
        %scan3A_249 = arith.constant 0 : i32
        scf.yield %scan3A_249 : i32
      }
      %scan3A_140 = arith.constant 32 : i32
      %dma_start3A_141 = arith.constant 8192 : i32
      %dma_start3A_142 = tpu.memref_slice %arg4[%add3A_30, %add3A, %dma_start3A_141] : memref<26x32x16384xf32, #tpu.memory_space<hbm>> -> memref<1x1x4096xf32, #tpu.memory_space<hbm>>
      %dma_start3A_143 = tpu.memref_squeeze %dma_start3A_142 : memref<1x1x4096xf32, #tpu.memory_space<hbm>> -> memref<4096xf32, #tpu.memory_space<hbm>>
      %dma_start3A_144 = arith.constant 8192 : i32
      %dma_start3A_145 = tpu.memref_slice %arg4[%add3A_30, %add3A, %dma_start3A_144] : memref<26x32x16384xf32, #tpu.memory_space<hbm>> -> memref<1x1x4096xf32, #tpu.memory_space<hbm>>
      %dma_start3A_146 = tpu.memref_squeeze %dma_start3A_145 : memref<1x1x4096xf32, #tpu.memory_space<hbm>> -> memref<4096xf32, #tpu.memory_space<hbm>>
      tpu.enqueue_dma source(%arg8 : memref<4096xf32, #tpu.memory_space<vmem>>) target(%dma_start3A_146 : memref<4096xf32, #tpu.memory_space<hbm>>) target_semaphore(%arg13 : memref<!tpu.dma_semaphore, #tpu.memory_space<semaphore_mem>>)
      %dma_wait3A_147 = arith.constant 12288 : i32
      %dma_wait3A_148 = tpu.memref_slice %arg2[%add3A_30, %dma_wait3A_147] : memref<26x16384xi32, #tpu.memory_space<hbm>> -> memref<1x4096xi32, #tpu.memory_space<hbm>>
      %dma_wait3A_149 = tpu.memref_squeeze %dma_wait3A_148 : memref<1x4096xi32, #tpu.memory_space<hbm>> -> memref<4096xi32, #tpu.memory_space<hbm>>
      %dma_wait3A_150 = arith.constant 12288 : i32
      %dma_wait3A_151 = tpu.memref_slice %arg2[%add3A_30, %dma_wait3A_150] : memref<26x16384xi32, #tpu.memory_space<hbm>> -> memref<1x4096xi32, #tpu.memory_space<hbm>>
      %dma_wait3A_152 = tpu.memref_squeeze %dma_wait3A_151 : memref<1x4096xi32, #tpu.memory_space<hbm>> -> memref<4096xi32, #tpu.memory_space<hbm>>
      tpu.wait_dma2 semaphore(%arg12 : memref<!tpu.dma_semaphore, #tpu.memory_space<semaphore_mem>>) src(%dma_wait3A_152 : memref<4096xi32, #tpu.memory_space<hbm>>) dst(%arg6 : memref<4096xi32, #tpu.memory_space<vmem>>)
      %mul3A_153 = arith.constant 4 : i32
      %mul3A_154 = arith.muli %add3A_30, %mul3A_153 : i32
      %add3A_155 = arith.constant 3 : i32
      %add3A_156 = arith.addi %mul3A_154, %add3A_155 : i32
      %ge3A_157 = arith.constant 2 : i32
      %ge3A_158 = arith.cmpi sge, %add3A_156, %ge3A_157 : i32
      %convert_element_type3A_159 = arith.extui %ge3A_158 : i1 to i32
      %cond3A_160 = arith.constant 0 : i32
      %cond3A_161 = arith.cmpi ne, %convert_element_type3A_159, %cond3A_160 : i32
      scf.if %cond3A_161 {
        %dma_wait3A_176 = arith.constant 12288 : i32
        %dma_wait3A_177 = tpu.memref_slice %arg4[%add3A_30, %add3A, %dma_wait3A_176] : memref<26x32x16384xf32, #tpu.memory_space<hbm>> -> memref<1x1x4096xf32, #tpu.memory_space<hbm>>
        %dma_wait3A_178 = tpu.memref_squeeze %dma_wait3A_177 : memref<1x1x4096xf32, #tpu.memory_space<hbm>> -> memref<4096xf32, #tpu.memory_space<hbm>>
        %dma_wait3A_179 = arith.constant 12288 : i32
        %dma_wait3A_180 = tpu.memref_slice %arg4[%add3A_30, %add3A, %dma_wait3A_179] : memref<26x32x16384xf32, #tpu.memory_space<hbm>> -> memref<1x1x4096xf32, #tpu.memory_space<hbm>>
        %dma_wait3A_181 = tpu.memref_squeeze %dma_wait3A_180 : memref<1x1x4096xf32, #tpu.memory_space<hbm>> -> memref<4096xf32, #tpu.memory_space<hbm>>
        tpu.wait_dma2 semaphore(%arg14 : memref<!tpu.dma_semaphore, #tpu.memory_space<semaphore_mem>>) src(%arg9 : memref<4096xf32, #tpu.memory_space<vmem>>) dst(%dma_wait3A_181 : memref<4096xf32, #tpu.memory_space<hbm>>)
      } else {
      }
      %scan3A_162 = arith.constant 0 : i32
      %scan3A_163 = arith.constant 0 : i32
      %scan3A_164 = arith.constant 32 : i32
      %scan3A_165 = arith.addi %scan3A_163, %scan3A_164 : i32
      %scan3A_166 = arith.constant 1 : i32
      %scan3A_167 = scf.for %scan3A_176 = %scan3A_163 to %scan3A_165 step %scan3A_166 iter_args(%scan3A_177 = %scan3A_162) -> (i32)  : i32 {
        %mul3A_178 = arith.constant 128 : i32
        %mul3A_179 = arith.muli %scan3A_176, %mul3A_178 : i32
        %add3A_180 = arith.constant 0 : i32
        %add3A_181 = arith.addi %mul3A_179, %add3A_180 : i32
        %get3A = arith.index_cast %add3A_181 : i32 to index
        %get3A_182 = tpu.vector_load %arg6[%get3A] {strides = array<i32>} : memref<4096xi32, #tpu.memory_space<vmem>>, vector<16xi32>,
        %add3A_183 = arith.constant 16 : i32
        %add3A_184 = arith.addi %mul3A_179, %add3A_183 : i32
        %get3A_185 = arith.index_cast %add3A_184 : i32 to index
        %get3A_186 = tpu.vector_load %arg6[%get3A_185] {strides = array<i32>} : memref<4096xi32, #tpu.memory_space<vmem>>, vector<16xi32>,
        %add3A_187 = arith.constant 32 : i32
        %add3A_188 = arith.addi %mul3A_179, %add3A_187 : i32
        %get3A_189 = arith.index_cast %add3A_188 : i32 to index
        %get3A_190 = tpu.vector_load %arg6[%get3A_189] {strides = array<i32>} : memref<4096xi32, #tpu.memory_space<vmem>>, vector<16xi32>,
        %add3A_191 = arith.constant 48 : i32
        %add3A_192 = arith.addi %mul3A_179, %add3A_191 : i32
        %get3A_193 = arith.index_cast %add3A_192 : i32 to index
        %get3A_194 = tpu.vector_load %arg6[%get3A_193] {strides = array<i32>} : memref<4096xi32, #tpu.memory_space<vmem>>, vector<16xi32>,
        %add3A_195 = arith.constant 64 : i32
        %add3A_196 = arith.addi %mul3A_179, %add3A_195 : i32
        %get3A_197 = arith.index_cast %add3A_196 : i32 to index
        %get3A_198 = tpu.vector_load %arg6[%get3A_197] {strides = array<i32>} : memref<4096xi32, #tpu.memory_space<vmem>>, vector<16xi32>,
        %add3A_199 = arith.constant 80 : i32
        %add3A_200 = arith.addi %mul3A_179, %add3A_199 : i32
        %get3A_201 = arith.index_cast %add3A_200 : i32 to index
        %get3A_202 = tpu.vector_load %arg6[%get3A_201] {strides = array<i32>} : memref<4096xi32, #tpu.memory_space<vmem>>, vector<16xi32>,
        %add3A_203 = arith.constant 96 : i32
        %add3A_204 = arith.addi %mul3A_179, %add3A_203 : i32
        %get3A_205 = arith.index_cast %add3A_204 : i32 to index
        %get3A_206 = tpu.vector_load %arg6[%get3A_205] {strides = array<i32>} : memref<4096xi32, #tpu.memory_space<vmem>>, vector<16xi32>,
        %add3A_207 = arith.constant 112 : i32
        %add3A_208 = arith.addi %mul3A_179, %add3A_207 : i32
        %get3A_209 = arith.index_cast %add3A_208 : i32 to index
        %get3A_210 = tpu.vector_load %arg6[%get3A_209] {strides = array<i32>} : memref<4096xi32, #tpu.memory_space<vmem>>, vector<16xi32>,
        %gather3A = tpu.vector_load_idx %arg7[%get3A_182] : memref<100001xf32, #tpu.memory_space<vmem>>[vector<16xi32>], vector<16xf32>,
        %gather3A_211 = tpu.vector_load_idx %arg7[%get3A_186] : memref<100001xf32, #tpu.memory_space<vmem>>[vector<16xi32>], vector<16xf32>,
        %gather3A_212 = tpu.vector_load_idx %arg7[%get3A_190] : memref<100001xf32, #tpu.memory_space<vmem>>[vector<16xi32>], vector<16xf32>,
        %gather3A_213 = tpu.vector_load_idx %arg7[%get3A_194] : memref<100001xf32, #tpu.memory_space<vmem>>[vector<16xi32>], vector<16xf32>,
        %gather3A_214 = tpu.vector_load_idx %arg7[%get3A_198] : memref<100001xf32, #tpu.memory_space<vmem>>[vector<16xi32>], vector<16xf32>,
        %gather3A_215 = tpu.vector_load_idx %arg7[%get3A_202] : memref<100001xf32, #tpu.memory_space<vmem>>[vector<16xi32>], vector<16xf32>,
        %gather3A_216 = tpu.vector_load_idx %arg7[%get3A_206] : memref<100001xf32, #tpu.memory_space<vmem>>[vector<16xi32>], vector<16xf32>,
        %gather3A_217 = tpu.vector_load_idx %arg7[%get3A_210] : memref<100001xf32, #tpu.memory_space<vmem>>[vector<16xi32>], vector<16xf32>,
        %add3A_218 = arith.constant 0 : i32
        %add3A_219 = arith.addi %mul3A_179, %add3A_218 : i32
        %swap3A = arith.index_cast %add3A_219 : i32 to index
        %swap3A_220 = tpu.vector_load %arg9[%swap3A] {strides = array<i32>} : memref<4096xf32, #tpu.memory_space<vmem>>, vector<16xf32>,
        tpu.vector_store %arg9[%swap3A], %gather3A {strides = array<i32>} : memref<4096xf32, #tpu.memory_space<vmem>>, vector<16xf32>,
        %add3A_221 = arith.constant 16 : i32
        %add3A_222 = arith.addi %mul3A_179, %add3A_221 : i32
        %swap3A_223 = arith.index_cast %add3A_222 : i32 to index
        %swap3A_224 = tpu.vector_load %arg9[%swap3A_223] {strides = array<i32>} : memref<4096xf32, #tpu.memory_space<vmem>>, vector<16xf32>,
        tpu.vector_store %arg9[%swap3A_223], %gather3A_211 {strides = array<i32>} : memref<4096xf32, #tpu.memory_space<vmem>>, vector<16xf32>,
        %add3A_225 = arith.constant 32 : i32
        %add3A_226 = arith.addi %mul3A_179, %add3A_225 : i32
        %swap3A_227 = arith.index_cast %add3A_226 : i32 to index
        %swap3A_228 = tpu.vector_load %arg9[%swap3A_227] {strides = array<i32>} : memref<4096xf32, #tpu.memory_space<vmem>>, vector<16xf32>,
        tpu.vector_store %arg9[%swap3A_227], %gather3A_212 {strides = array<i32>} : memref<4096xf32, #tpu.memory_space<vmem>>, vector<16xf32>,
        %add3A_229 = arith.constant 48 : i32
        %add3A_230 = arith.addi %mul3A_179, %add3A_229 : i32
        %swap3A_231 = arith.index_cast %add3A_230 : i32 to index
        %swap3A_232 = tpu.vector_load %arg9[%swap3A_231] {strides = array<i32>} : memref<4096xf32, #tpu.memory_space<vmem>>, vector<16xf32>,
        tpu.vector_store %arg9[%swap3A_231], %gather3A_213 {strides = array<i32>} : memref<4096xf32, #tpu.memory_space<vmem>>, vector<16xf32>,
        %add3A_233 = arith.constant 64 : i32
        %add3A_234 = arith.addi %mul3A_179, %add3A_233 : i32
        %swap3A_235 = arith.index_cast %add3A_234 : i32 to index
        %swap3A_236 = tpu.vector_load %arg9[%swap3A_235] {strides = array<i32>} : memref<4096xf32, #tpu.memory_space<vmem>>, vector<16xf32>,
        tpu.vector_store %arg9[%swap3A_235], %gather3A_214 {strides = array<i32>} : memref<4096xf32, #tpu.memory_space<vmem>>, vector<16xf32>,
        %add3A_237 = arith.constant 80 : i32
        %add3A_238 = arith.addi %mul3A_179, %add3A_237 : i32
        %swap3A_239 = arith.index_cast %add3A_238 : i32 to index
        %swap3A_240 = tpu.vector_load %arg9[%swap3A_239] {strides = array<i32>} : memref<4096xf32, #tpu.memory_space<vmem>>, vector<16xf32>,
        tpu.vector_store %arg9[%swap3A_239], %gather3A_215 {strides = array<i32>} : memref<4096xf32, #tpu.memory_space<vmem>>, vector<16xf32>,
        %add3A_241 = arith.constant 96 : i32
        %add3A_242 = arith.addi %mul3A_179, %add3A_241 : i32
        %swap3A_243 = arith.index_cast %add3A_242 : i32 to index
        %swap3A_244 = tpu.vector_load %arg9[%swap3A_243] {strides = array<i32>} : memref<4096xf32, #tpu.memory_space<vmem>>, vector<16xf32>,
        tpu.vector_store %arg9[%swap3A_243], %gather3A_216 {strides = array<i32>} : memref<4096xf32, #tpu.memory_space<vmem>>, vector<16xf32>,
        %add3A_245 = arith.constant 112 : i32
        %add3A_246 = arith.addi %mul3A_179, %add3A_245 : i32
        %swap3A_247 = arith.index_cast %add3A_246 : i32 to index
        %swap3A_248 = tpu.vector_load %arg9[%swap3A_247] {strides = array<i32>} : memref<4096xf32, #tpu.memory_space<vmem>>, vector<16xf32>,
        tpu.vector_store %arg9[%swap3A_247], %gather3A_217 {strides = array<i32>} : memref<4096xf32, #tpu.memory_space<vmem>>, vector<16xf32>,
        %scan3A_249 = arith.constant 0 : i32
        scf.yield %scan3A_249 : i32
      }
      %scan3A_168 = arith.constant 32 : i32
      %dma_start3A_169 = arith.constant 12288 : i32
      %dma_start3A_170 = tpu.memref_slice %arg4[%add3A_30, %add3A, %dma_start3A_169] : memref<26x32x16384xf32, #tpu.memory_space<hbm>> -> memref<1x1x4096xf32, #tpu.memory_space<hbm>>
      %dma_start3A_171 = tpu.memref_squeeze %dma_start3A_170 : memref<1x1x4096xf32, #tpu.memory_space<hbm>> -> memref<4096xf32, #tpu.memory_space<hbm>>
      %dma_start3A_172 = arith.constant 12288 : i32
      %dma_start3A_173 = tpu.memref_slice %arg4[%add3A_30, %add3A, %dma_start3A_172] : memref<26x32x16384xf32, #tpu.memory_space<hbm>> -> memref<1x1x4096xf32, #tpu.memory_space<hbm>>
      %dma_start3A_174 = tpu.memref_squeeze %dma_start3A_173 : memref<1x1x4096xf32, #tpu.memory_space<hbm>> -> memref<4096xf32, #tpu.memory_space<hbm>>
      tpu.enqueue_dma source(%arg9 : memref<4096xf32, #tpu.memory_space<vmem>>) target(%dma_start3A_174 : memref<4096xf32, #tpu.memory_space<hbm>>) target_semaphore(%arg14 : memref<!tpu.dma_semaphore, #tpu.memory_space<semaphore_mem>>)
      %scan3A_175 = arith.constant 0 : i32
      scf.yield %scan3A_175 : i32
    }
    %scan3A_6 = arith.constant 13 : i32
    %scan3A_7 = arith.constant 0 : i32
    %scan3A_8 = arith.constant 0 : i32
    %scan3A_9 = arith.constant 13 : i32
    %scan3A_10 = arith.addi %scan3A_8, %scan3A_9 : i32
    %scan3A_11 = arith.constant 1 : i32
    %scan3A_12 = scf.for %scan3A_27 = %scan3A_8 to %scan3A_10 step %scan3A_11 iter_args(%scan3A_28 = %scan3A_7) -> (i32)  : i32 {
      %add3A_29 = arith.constant 13 : i32
      %add3A_30 = arith.addi %add3A_29, %scan3A_27 : i32
      %dma_start3A = arith.constant 0 : i32
      %dma_start3A_31 = tpu.memref_slice %arg3[%add3A_30, %add3A, %dma_start3A] : memref<26x32x100001xf32, #tpu.memory_space<hbm>> -> memref<1x1x100001xf32, #tpu.memory_space<hbm>>
      %dma_start3A_32 = tpu.memref_squeeze %dma_start3A_31 : memref<1x1x100001xf32, #tpu.memory_space<hbm>> -> memref<100001xf32, #tpu.memory_space<hbm>>
      %dma_start3A_33 = arith.constant 0 : i32
      %dma_start3A_34 = tpu.memref_slice %arg3[%add3A_30, %add3A, %dma_start3A_33] : memref<26x32x100001xf32, #tpu.memory_space<hbm>> -> memref<1x1x100001xf32, #tpu.memory_space<hbm>>
      %dma_start3A_35 = tpu.memref_squeeze %dma_start3A_34 : memref<1x1x100001xf32, #tpu.memory_space<hbm>> -> memref<100001xf32, #tpu.memory_space<hbm>>
      tpu.enqueue_dma source(%dma_start3A_35 : memref<100001xf32, #tpu.memory_space<hbm>>) target(%arg7 : memref<100001xf32, #tpu.memory_space<vmem>>) target_semaphore(%arg10 : memref<!tpu.dma_semaphore, #tpu.memory_space<semaphore_mem>>)
      %dma_start3A_36 = arith.constant 0 : i32
      %dma_start3A_37 = tpu.memref_slice %arg2[%add3A_30, %dma_start3A_36] : memref<26x16384xi32, #tpu.memory_space<hbm>> -> memref<1x4096xi32, #tpu.memory_space<hbm>>
      %dma_start3A_38 = tpu.memref_squeeze %dma_start3A_37 : memref<1x4096xi32, #tpu.memory_space<hbm>> -> memref<4096xi32, #tpu.memory_space<hbm>>
      %dma_start3A_39 = arith.constant 0 : i32
      %dma_start3A_40 = tpu.memref_slice %arg2[%add3A_30, %dma_start3A_39] : memref<26x16384xi32, #tpu.memory_space<hbm>> -> memref<1x4096xi32, #tpu.memory_space<hbm>>
      %dma_start3A_41 = tpu.memref_squeeze %dma_start3A_40 : memref<1x4096xi32, #tpu.memory_space<hbm>> -> memref<4096xi32, #tpu.memory_space<hbm>>
      tpu.enqueue_dma source(%dma_start3A_41 : memref<4096xi32, #tpu.memory_space<hbm>>) target(%arg5 : memref<4096xi32, #tpu.memory_space<vmem>>) target_semaphore(%arg11 : memref<!tpu.dma_semaphore, #tpu.memory_space<semaphore_mem>>)
      %dma_start3A_42 = arith.constant 4096 : i32
      %dma_start3A_43 = tpu.memref_slice %arg2[%add3A_30, %dma_start3A_42] : memref<26x16384xi32, #tpu.memory_space<hbm>> -> memref<1x4096xi32, #tpu.memory_space<hbm>>
      %dma_start3A_44 = tpu.memref_squeeze %dma_start3A_43 : memref<1x4096xi32, #tpu.memory_space<hbm>> -> memref<4096xi32, #tpu.memory_space<hbm>>
      %dma_start3A_45 = arith.constant 4096 : i32
      %dma_start3A_46 = tpu.memref_slice %arg2[%add3A_30, %dma_start3A_45] : memref<26x16384xi32, #tpu.memory_space<hbm>> -> memref<1x4096xi32, #tpu.memory_space<hbm>>
      %dma_start3A_47 = tpu.memref_squeeze %dma_start3A_46 : memref<1x4096xi32, #tpu.memory_space<hbm>> -> memref<4096xi32, #tpu.memory_space<hbm>>
      tpu.enqueue_dma source(%dma_start3A_47 : memref<4096xi32, #tpu.memory_space<hbm>>) target(%arg6 : memref<4096xi32, #tpu.memory_space<vmem>>) target_semaphore(%arg12 : memref<!tpu.dma_semaphore, #tpu.memory_space<semaphore_mem>>)
      %dma_wait3A_48 = arith.constant 0 : i32
      %dma_wait3A_49 = tpu.memref_slice %arg3[%add3A_30, %add3A, %dma_wait3A_48] : memref<26x32x100001xf32, #tpu.memory_space<hbm>> -> memref<1x1x100001xf32, #tpu.memory_space<hbm>>
      %dma_wait3A_50 = tpu.memref_squeeze %dma_wait3A_49 : memref<1x1x100001xf32, #tpu.memory_space<hbm>> -> memref<100001xf32, #tpu.memory_space<hbm>>
      %dma_wait3A_51 = arith.constant 0 : i32
      %dma_wait3A_52 = tpu.memref_slice %arg3[%add3A_30, %add3A, %dma_wait3A_51] : memref<26x32x100001xf32, #tpu.memory_space<hbm>> -> memref<1x1x100001xf32, #tpu.memory_space<hbm>>
      %dma_wait3A_53 = tpu.memref_squeeze %dma_wait3A_52 : memref<1x1x100001xf32, #tpu.memory_space<hbm>> -> memref<100001xf32, #tpu.memory_space<hbm>>
      tpu.wait_dma2 semaphore(%arg10 : memref<!tpu.dma_semaphore, #tpu.memory_space<semaphore_mem>>) src(%dma_wait3A_53 : memref<100001xf32, #tpu.memory_space<hbm>>) dst(%arg7 : memref<100001xf32, #tpu.memory_space<vmem>>)
      %dma_wait3A_54 = arith.constant 0 : i32
      %dma_wait3A_55 = tpu.memref_slice %arg2[%add3A_30, %dma_wait3A_54] : memref<26x16384xi32, #tpu.memory_space<hbm>> -> memref<1x4096xi32, #tpu.memory_space<hbm>>
      %dma_wait3A_56 = tpu.memref_squeeze %dma_wait3A_55 : memref<1x4096xi32, #tpu.memory_space<hbm>> -> memref<4096xi32, #tpu.memory_space<hbm>>
      %dma_wait3A_57 = arith.constant 0 : i32
      %dma_wait3A_58 = tpu.memref_slice %arg2[%add3A_30, %dma_wait3A_57] : memref<26x16384xi32, #tpu.memory_space<hbm>> -> memref<1x4096xi32, #tpu.memory_space<hbm>>
      %dma_wait3A_59 = tpu.memref_squeeze %dma_wait3A_58 : memref<1x4096xi32, #tpu.memory_space<hbm>> -> memref<4096xi32, #tpu.memory_space<hbm>>
      tpu.wait_dma2 semaphore(%arg11 : memref<!tpu.dma_semaphore, #tpu.memory_space<semaphore_mem>>) src(%dma_wait3A_59 : memref<4096xi32, #tpu.memory_space<hbm>>) dst(%arg5 : memref<4096xi32, #tpu.memory_space<vmem>>)
      %mul3A_60 = arith.constant 4 : i32
      %mul3A_61 = arith.muli %add3A_30, %mul3A_60 : i32
      %add3A_62 = arith.constant 0 : i32
      %add3A_63 = arith.addi %mul3A_61, %add3A_62 : i32
      %ge3A = arith.constant 2 : i32
      %ge3A_64 = arith.cmpi sge, %add3A_63, %ge3A : i32
      %convert_element_type3A = arith.extui %ge3A_64 : i1 to i32
      %cond3A = arith.constant 0 : i32
      %cond3A_65 = arith.cmpi ne, %convert_element_type3A, %cond3A : i32
      scf.if %cond3A_65 {
        %dma_wait3A_176 = arith.constant 0 : i32
        %dma_wait3A_177 = tpu.memref_slice %arg4[%add3A_30, %add3A, %dma_wait3A_176] : memref<26x32x16384xf32, #tpu.memory_space<hbm>> -> memref<1x1x4096xf32, #tpu.memory_space<hbm>>
        %dma_wait3A_178 = tpu.memref_squeeze %dma_wait3A_177 : memref<1x1x4096xf32, #tpu.memory_space<hbm>> -> memref<4096xf32, #tpu.memory_space<hbm>>
        %dma_wait3A_179 = arith.constant 0 : i32
        %dma_wait3A_180 = tpu.memref_slice %arg4[%add3A_30, %add3A, %dma_wait3A_179] : memref<26x32x16384xf32, #tpu.memory_space<hbm>> -> memref<1x1x4096xf32, #tpu.memory_space<hbm>>
        %dma_wait3A_181 = tpu.memref_squeeze %dma_wait3A_180 : memref<1x1x4096xf32, #tpu.memory_space<hbm>> -> memref<4096xf32, #tpu.memory_space<hbm>>
        tpu.wait_dma2 semaphore(%arg13 : memref<!tpu.dma_semaphore, #tpu.memory_space<semaphore_mem>>) src(%arg8 : memref<4096xf32, #tpu.memory_space<vmem>>) dst(%dma_wait3A_181 : memref<4096xf32, #tpu.memory_space<hbm>>)
      } else {
      }
      %scan3A_66 = arith.constant 0 : i32
      %scan3A_67 = arith.constant 0 : i32
      %scan3A_68 = arith.constant 32 : i32
      %scan3A_69 = arith.addi %scan3A_67, %scan3A_68 : i32
      %scan3A_70 = arith.constant 1 : i32
      %scan3A_71 = scf.for %scan3A_176 = %scan3A_67 to %scan3A_69 step %scan3A_70 iter_args(%scan3A_177 = %scan3A_66) -> (i32)  : i32 {
        %mul3A_178 = arith.constant 128 : i32
        %mul3A_179 = arith.muli %scan3A_176, %mul3A_178 : i32
        %add3A_180 = arith.constant 0 : i32
        %add3A_181 = arith.addi %mul3A_179, %add3A_180 : i32
        %get3A = arith.index_cast %add3A_181 : i32 to index
        %get3A_182 = tpu.vector_load %arg5[%get3A] {strides = array<i32>} : memref<4096xi32, #tpu.memory_space<vmem>>, vector<16xi32>,
        %add3A_183 = arith.constant 16 : i32
        %add3A_184 = arith.addi %mul3A_179, %add3A_183 : i32
        %get3A_185 = arith.index_cast %add3A_184 : i32 to index
        %get3A_186 = tpu.vector_load %arg5[%get3A_185] {strides = array<i32>} : memref<4096xi32, #tpu.memory_space<vmem>>, vector<16xi32>,
        %add3A_187 = arith.constant 32 : i32
        %add3A_188 = arith.addi %mul3A_179, %add3A_187 : i32
        %get3A_189 = arith.index_cast %add3A_188 : i32 to index
        %get3A_190 = tpu.vector_load %arg5[%get3A_189] {strides = array<i32>} : memref<4096xi32, #tpu.memory_space<vmem>>, vector<16xi32>,
        %add3A_191 = arith.constant 48 : i32
        %add3A_192 = arith.addi %mul3A_179, %add3A_191 : i32
        %get3A_193 = arith.index_cast %add3A_192 : i32 to index
        %get3A_194 = tpu.vector_load %arg5[%get3A_193] {strides = array<i32>} : memref<4096xi32, #tpu.memory_space<vmem>>, vector<16xi32>,
        %add3A_195 = arith.constant 64 : i32
        %add3A_196 = arith.addi %mul3A_179, %add3A_195 : i32
        %get3A_197 = arith.index_cast %add3A_196 : i32 to index
        %get3A_198 = tpu.vector_load %arg5[%get3A_197] {strides = array<i32>} : memref<4096xi32, #tpu.memory_space<vmem>>, vector<16xi32>,
        %add3A_199 = arith.constant 80 : i32
        %add3A_200 = arith.addi %mul3A_179, %add3A_199 : i32
        %get3A_201 = arith.index_cast %add3A_200 : i32 to index
        %get3A_202 = tpu.vector_load %arg5[%get3A_201] {strides = array<i32>} : memref<4096xi32, #tpu.memory_space<vmem>>, vector<16xi32>,
        %add3A_203 = arith.constant 96 : i32
        %add3A_204 = arith.addi %mul3A_179, %add3A_203 : i32
        %get3A_205 = arith.index_cast %add3A_204 : i32 to index
        %get3A_206 = tpu.vector_load %arg5[%get3A_205] {strides = array<i32>} : memref<4096xi32, #tpu.memory_space<vmem>>, vector<16xi32>,
        %add3A_207 = arith.constant 112 : i32
        %add3A_208 = arith.addi %mul3A_179, %add3A_207 : i32
        %get3A_209 = arith.index_cast %add3A_208 : i32 to index
        %get3A_210 = tpu.vector_load %arg5[%get3A_209] {strides = array<i32>} : memref<4096xi32, #tpu.memory_space<vmem>>, vector<16xi32>,
        %gather3A = tpu.vector_load_idx %arg7[%get3A_182] : memref<100001xf32, #tpu.memory_space<vmem>>[vector<16xi32>], vector<16xf32>,
        %gather3A_211 = tpu.vector_load_idx %arg7[%get3A_186] : memref<100001xf32, #tpu.memory_space<vmem>>[vector<16xi32>], vector<16xf32>,
        %gather3A_212 = tpu.vector_load_idx %arg7[%get3A_190] : memref<100001xf32, #tpu.memory_space<vmem>>[vector<16xi32>], vector<16xf32>,
        %gather3A_213 = tpu.vector_load_idx %arg7[%get3A_194] : memref<100001xf32, #tpu.memory_space<vmem>>[vector<16xi32>], vector<16xf32>,
        %gather3A_214 = tpu.vector_load_idx %arg7[%get3A_198] : memref<100001xf32, #tpu.memory_space<vmem>>[vector<16xi32>], vector<16xf32>,
        %gather3A_215 = tpu.vector_load_idx %arg7[%get3A_202] : memref<100001xf32, #tpu.memory_space<vmem>>[vector<16xi32>], vector<16xf32>,
        %gather3A_216 = tpu.vector_load_idx %arg7[%get3A_206] : memref<100001xf32, #tpu.memory_space<vmem>>[vector<16xi32>], vector<16xf32>,
        %gather3A_217 = tpu.vector_load_idx %arg7[%get3A_210] : memref<100001xf32, #tpu.memory_space<vmem>>[vector<16xi32>], vector<16xf32>,
        %add3A_218 = arith.constant 0 : i32
        %add3A_219 = arith.addi %mul3A_179, %add3A_218 : i32
        %swap3A = arith.index_cast %add3A_219 : i32 to index
        %swap3A_220 = tpu.vector_load %arg8[%swap3A] {strides = array<i32>} : memref<4096xf32, #tpu.memory_space<vmem>>, vector<16xf32>,
        tpu.vector_store %arg8[%swap3A], %gather3A {strides = array<i32>} : memref<4096xf32, #tpu.memory_space<vmem>>, vector<16xf32>,
        %add3A_221 = arith.constant 16 : i32
        %add3A_222 = arith.addi %mul3A_179, %add3A_221 : i32
        %swap3A_223 = arith.index_cast %add3A_222 : i32 to index
        %swap3A_224 = tpu.vector_load %arg8[%swap3A_223] {strides = array<i32>} : memref<4096xf32, #tpu.memory_space<vmem>>, vector<16xf32>,
        tpu.vector_store %arg8[%swap3A_223], %gather3A_211 {strides = array<i32>} : memref<4096xf32, #tpu.memory_space<vmem>>, vector<16xf32>,
        %add3A_225 = arith.constant 32 : i32
        %add3A_226 = arith.addi %mul3A_179, %add3A_225 : i32
        %swap3A_227 = arith.index_cast %add3A_226 : i32 to index
        %swap3A_228 = tpu.vector_load %arg8[%swap3A_227] {strides = array<i32>} : memref<4096xf32, #tpu.memory_space<vmem>>, vector<16xf32>,
        tpu.vector_store %arg8[%swap3A_227], %gather3A_212 {strides = array<i32>} : memref<4096xf32, #tpu.memory_space<vmem>>, vector<16xf32>,
        %add3A_229 = arith.constant 48 : i32
        %add3A_230 = arith.addi %mul3A_179, %add3A_229 : i32
        %swap3A_231 = arith.index_cast %add3A_230 : i32 to index
        %swap3A_232 = tpu.vector_load %arg8[%swap3A_231] {strides = array<i32>} : memref<4096xf32, #tpu.memory_space<vmem>>, vector<16xf32>,
        tpu.vector_store %arg8[%swap3A_231], %gather3A_213 {strides = array<i32>} : memref<4096xf32, #tpu.memory_space<vmem>>, vector<16xf32>,
        %add3A_233 = arith.constant 64 : i32
        %add3A_234 = arith.addi %mul3A_179, %add3A_233 : i32
        %swap3A_235 = arith.index_cast %add3A_234 : i32 to index
        %swap3A_236 = tpu.vector_load %arg8[%swap3A_235] {strides = array<i32>} : memref<4096xf32, #tpu.memory_space<vmem>>, vector<16xf32>,
        tpu.vector_store %arg8[%swap3A_235], %gather3A_214 {strides = array<i32>} : memref<4096xf32, #tpu.memory_space<vmem>>, vector<16xf32>,
        %add3A_237 = arith.constant 80 : i32
        %add3A_238 = arith.addi %mul3A_179, %add3A_237 : i32
        %swap3A_239 = arith.index_cast %add3A_238 : i32 to index
        %swap3A_240 = tpu.vector_load %arg8[%swap3A_239] {strides = array<i32>} : memref<4096xf32, #tpu.memory_space<vmem>>, vector<16xf32>,
        tpu.vector_store %arg8[%swap3A_239], %gather3A_215 {strides = array<i32>} : memref<4096xf32, #tpu.memory_space<vmem>>, vector<16xf32>,
        %add3A_241 = arith.constant 96 : i32
        %add3A_242 = arith.addi %mul3A_179, %add3A_241 : i32
        %swap3A_243 = arith.index_cast %add3A_242 : i32 to index
        %swap3A_244 = tpu.vector_load %arg8[%swap3A_243] {strides = array<i32>} : memref<4096xf32, #tpu.memory_space<vmem>>, vector<16xf32>,
        tpu.vector_store %arg8[%swap3A_243], %gather3A_216 {strides = array<i32>} : memref<4096xf32, #tpu.memory_space<vmem>>, vector<16xf32>,
        %add3A_245 = arith.constant 112 : i32
        %add3A_246 = arith.addi %mul3A_179, %add3A_245 : i32
        %swap3A_247 = arith.index_cast %add3A_246 : i32 to index
        %swap3A_248 = tpu.vector_load %arg8[%swap3A_247] {strides = array<i32>} : memref<4096xf32, #tpu.memory_space<vmem>>, vector<16xf32>,
        tpu.vector_store %arg8[%swap3A_247], %gather3A_217 {strides = array<i32>} : memref<4096xf32, #tpu.memory_space<vmem>>, vector<16xf32>,
        %scan3A_249 = arith.constant 0 : i32
        scf.yield %scan3A_249 : i32
      }
      %scan3A_72 = arith.constant 32 : i32
      %dma_start3A_73 = arith.constant 0 : i32
      %dma_start3A_74 = tpu.memref_slice %arg4[%add3A_30, %add3A, %dma_start3A_73] : memref<26x32x16384xf32, #tpu.memory_space<hbm>> -> memref<1x1x4096xf32, #tpu.memory_space<hbm>>
      %dma_start3A_75 = tpu.memref_squeeze %dma_start3A_74 : memref<1x1x4096xf32, #tpu.memory_space<hbm>> -> memref<4096xf32, #tpu.memory_space<hbm>>
      %dma_start3A_76 = arith.constant 0 : i32
      %dma_start3A_77 = tpu.memref_slice %arg4[%add3A_30, %add3A, %dma_start3A_76] : memref<26x32x16384xf32, #tpu.memory_space<hbm>> -> memref<1x1x4096xf32, #tpu.memory_space<hbm>>
      %dma_start3A_78 = tpu.memref_squeeze %dma_start3A_77 : memref<1x1x4096xf32, #tpu.memory_space<hbm>> -> memref<4096xf32, #tpu.memory_space<hbm>>
      tpu.enqueue_dma source(%arg8 : memref<4096xf32, #tpu.memory_space<vmem>>) target(%dma_start3A_78 : memref<4096xf32, #tpu.memory_space<hbm>>) target_semaphore(%arg13 : memref<!tpu.dma_semaphore, #tpu.memory_space<semaphore_mem>>)
      %dma_start3A_79 = arith.constant 8192 : i32
      %dma_start3A_80 = tpu.memref_slice %arg2[%add3A_30, %dma_start3A_79] : memref<26x16384xi32, #tpu.memory_space<hbm>> -> memref<1x4096xi32, #tpu.memory_space<hbm>>
      %dma_start3A_81 = tpu.memref_squeeze %dma_start3A_80 : memref<1x4096xi32, #tpu.memory_space<hbm>> -> memref<4096xi32, #tpu.memory_space<hbm>>
      %dma_start3A_82 = arith.constant 8192 : i32
      %dma_start3A_83 = tpu.memref_slice %arg2[%add3A_30, %dma_start3A_82] : memref<26x16384xi32, #tpu.memory_space<hbm>> -> memref<1x4096xi32, #tpu.memory_space<hbm>>
      %dma_start3A_84 = tpu.memref_squeeze %dma_start3A_83 : memref<1x4096xi32, #tpu.memory_space<hbm>> -> memref<4096xi32, #tpu.memory_space<hbm>>
      tpu.enqueue_dma source(%dma_start3A_84 : memref<4096xi32, #tpu.memory_space<hbm>>) target(%arg5 : memref<4096xi32, #tpu.memory_space<vmem>>) target_semaphore(%arg11 : memref<!tpu.dma_semaphore, #tpu.memory_space<semaphore_mem>>)
      %dma_wait3A_85 = arith.constant 4096 : i32
      %dma_wait3A_86 = tpu.memref_slice %arg2[%add3A_30, %dma_wait3A_85] : memref<26x16384xi32, #tpu.memory_space<hbm>> -> memref<1x4096xi32, #tpu.memory_space<hbm>>
      %dma_wait3A_87 = tpu.memref_squeeze %dma_wait3A_86 : memref<1x4096xi32, #tpu.memory_space<hbm>> -> memref<4096xi32, #tpu.memory_space<hbm>>
      %dma_wait3A_88 = arith.constant 4096 : i32
      %dma_wait3A_89 = tpu.memref_slice %arg2[%add3A_30, %dma_wait3A_88] : memref<26x16384xi32, #tpu.memory_space<hbm>> -> memref<1x4096xi32, #tpu.memory_space<hbm>>
      %dma_wait3A_90 = tpu.memref_squeeze %dma_wait3A_89 : memref<1x4096xi32, #tpu.memory_space<hbm>> -> memref<4096xi32, #tpu.memory_space<hbm>>
      tpu.wait_dma2 semaphore(%arg12 : memref<!tpu.dma_semaphore, #tpu.memory_space<semaphore_mem>>) src(%dma_wait3A_90 : memref<4096xi32, #tpu.memory_space<hbm>>) dst(%arg6 : memref<4096xi32, #tpu.memory_space<vmem>>)
      %mul3A_91 = arith.constant 4 : i32
      %mul3A_92 = arith.muli %add3A_30, %mul3A_91 : i32
      %add3A_93 = arith.constant 1 : i32
      %add3A_94 = arith.addi %mul3A_92, %add3A_93 : i32
      %ge3A_95 = arith.constant 2 : i32
      %ge3A_96 = arith.cmpi sge, %add3A_94, %ge3A_95 : i32
      %convert_element_type3A_97 = arith.extui %ge3A_96 : i1 to i32
      %cond3A_98 = arith.constant 0 : i32
      %cond3A_99 = arith.cmpi ne, %convert_element_type3A_97, %cond3A_98 : i32
      scf.if %cond3A_99 {
        %dma_wait3A_176 = arith.constant 4096 : i32
        %dma_wait3A_177 = tpu.memref_slice %arg4[%add3A_30, %add3A, %dma_wait3A_176] : memref<26x32x16384xf32, #tpu.memory_space<hbm>> -> memref<1x1x4096xf32, #tpu.memory_space<hbm>>
        %dma_wait3A_178 = tpu.memref_squeeze %dma_wait3A_177 : memref<1x1x4096xf32, #tpu.memory_space<hbm>> -> memref<4096xf32, #tpu.memory_space<hbm>>
        %dma_wait3A_179 = arith.constant 4096 : i32
        %dma_wait3A_180 = tpu.memref_slice %arg4[%add3A_30, %add3A, %dma_wait3A_179] : memref<26x32x16384xf32, #tpu.memory_space<hbm>> -> memref<1x1x4096xf32, #tpu.memory_space<hbm>>
        %dma_wait3A_181 = tpu.memref_squeeze %dma_wait3A_180 : memref<1x1x4096xf32, #tpu.memory_space<hbm>> -> memref<4096xf32, #tpu.memory_space<hbm>>
        tpu.wait_dma2 semaphore(%arg14 : memref<!tpu.dma_semaphore, #tpu.memory_space<semaphore_mem>>) src(%arg9 : memref<4096xf32, #tpu.memory_space<vmem>>) dst(%dma_wait3A_181 : memref<4096xf32, #tpu.memory_space<hbm>>)
      } else {
      }
      %scan3A_100 = arith.constant 0 : i32
      %scan3A_101 = arith.constant 0 : i32
      %scan3A_102 = arith.constant 32 : i32
      %scan3A_103 = arith.addi %scan3A_101, %scan3A_102 : i32
      %scan3A_104 = arith.constant 1 : i32
      %scan3A_105 = scf.for %scan3A_176 = %scan3A_101 to %scan3A_103 step %scan3A_104 iter_args(%scan3A_177 = %scan3A_100) -> (i32)  : i32 {
        %mul3A_178 = arith.constant 128 : i32
        %mul3A_179 = arith.muli %scan3A_176, %mul3A_178 : i32
        %add3A_180 = arith.constant 0 : i32
        %add3A_181 = arith.addi %mul3A_179, %add3A_180 : i32
        %get3A = arith.index_cast %add3A_181 : i32 to index
        %get3A_182 = tpu.vector_load %arg6[%get3A] {strides = array<i32>} : memref<4096xi32, #tpu.memory_space<vmem>>, vector<16xi32>,
        %add3A_183 = arith.constant 16 : i32
        %add3A_184 = arith.addi %mul3A_179, %add3A_183 : i32
        %get3A_185 = arith.index_cast %add3A_184 : i32 to index
        %get3A_186 = tpu.vector_load %arg6[%get3A_185] {strides = array<i32>} : memref<4096xi32, #tpu.memory_space<vmem>>, vector<16xi32>,
        %add3A_187 = arith.constant 32 : i32
        %add3A_188 = arith.addi %mul3A_179, %add3A_187 : i32
        %get3A_189 = arith.index_cast %add3A_188 : i32 to index
        %get3A_190 = tpu.vector_load %arg6[%get3A_189] {strides = array<i32>} : memref<4096xi32, #tpu.memory_space<vmem>>, vector<16xi32>,
        %add3A_191 = arith.constant 48 : i32
        %add3A_192 = arith.addi %mul3A_179, %add3A_191 : i32
        %get3A_193 = arith.index_cast %add3A_192 : i32 to index
        %get3A_194 = tpu.vector_load %arg6[%get3A_193] {strides = array<i32>} : memref<4096xi32, #tpu.memory_space<vmem>>, vector<16xi32>,
        %add3A_195 = arith.constant 64 : i32
        %add3A_196 = arith.addi %mul3A_179, %add3A_195 : i32
        %get3A_197 = arith.index_cast %add3A_196 : i32 to index
        %get3A_198 = tpu.vector_load %arg6[%get3A_197] {strides = array<i32>} : memref<4096xi32, #tpu.memory_space<vmem>>, vector<16xi32>,
        %add3A_199 = arith.constant 80 : i32
        %add3A_200 = arith.addi %mul3A_179, %add3A_199 : i32
        %get3A_201 = arith.index_cast %add3A_200 : i32 to index
        %get3A_202 = tpu.vector_load %arg6[%get3A_201] {strides = array<i32>} : memref<4096xi32, #tpu.memory_space<vmem>>, vector<16xi32>,
        %add3A_203 = arith.constant 96 : i32
        %add3A_204 = arith.addi %mul3A_179, %add3A_203 : i32
        %get3A_205 = arith.index_cast %add3A_204 : i32 to index
        %get3A_206 = tpu.vector_load %arg6[%get3A_205] {strides = array<i32>} : memref<4096xi32, #tpu.memory_space<vmem>>, vector<16xi32>,
        %add3A_207 = arith.constant 112 : i32
        %add3A_208 = arith.addi %mul3A_179, %add3A_207 : i32
        %get3A_209 = arith.index_cast %add3A_208 : i32 to index
        %get3A_210 = tpu.vector_load %arg6[%get3A_209] {strides = array<i32>} : memref<4096xi32, #tpu.memory_space<vmem>>, vector<16xi32>,
        %gather3A = tpu.vector_load_idx %arg7[%get3A_182] : memref<100001xf32, #tpu.memory_space<vmem>>[vector<16xi32>], vector<16xf32>,
        %gather3A_211 = tpu.vector_load_idx %arg7[%get3A_186] : memref<100001xf32, #tpu.memory_space<vmem>>[vector<16xi32>], vector<16xf32>,
        %gather3A_212 = tpu.vector_load_idx %arg7[%get3A_190] : memref<100001xf32, #tpu.memory_space<vmem>>[vector<16xi32>], vector<16xf32>,
        %gather3A_213 = tpu.vector_load_idx %arg7[%get3A_194] : memref<100001xf32, #tpu.memory_space<vmem>>[vector<16xi32>], vector<16xf32>,
        %gather3A_214 = tpu.vector_load_idx %arg7[%get3A_198] : memref<100001xf32, #tpu.memory_space<vmem>>[vector<16xi32>], vector<16xf32>,
        %gather3A_215 = tpu.vector_load_idx %arg7[%get3A_202] : memref<100001xf32, #tpu.memory_space<vmem>>[vector<16xi32>], vector<16xf32>,
        %gather3A_216 = tpu.vector_load_idx %arg7[%get3A_206] : memref<100001xf32, #tpu.memory_space<vmem>>[vector<16xi32>], vector<16xf32>,
        %gather3A_217 = tpu.vector_load_idx %arg7[%get3A_210] : memref<100001xf32, #tpu.memory_space<vmem>>[vector<16xi32>], vector<16xf32>,
        %add3A_218 = arith.constant 0 : i32
        %add3A_219 = arith.addi %mul3A_179, %add3A_218 : i32
        %swap3A = arith.index_cast %add3A_219 : i32 to index
        %swap3A_220 = tpu.vector_load %arg9[%swap3A] {strides = array<i32>} : memref<4096xf32, #tpu.memory_space<vmem>>, vector<16xf32>,
        tpu.vector_store %arg9[%swap3A], %gather3A {strides = array<i32>} : memref<4096xf32, #tpu.memory_space<vmem>>, vector<16xf32>,
        %add3A_221 = arith.constant 16 : i32
        %add3A_222 = arith.addi %mul3A_179, %add3A_221 : i32
        %swap3A_223 = arith.index_cast %add3A_222 : i32 to index
        %swap3A_224 = tpu.vector_load %arg9[%swap3A_223] {strides = array<i32>} : memref<4096xf32, #tpu.memory_space<vmem>>, vector<16xf32>,
        tpu.vector_store %arg9[%swap3A_223], %gather3A_211 {strides = array<i32>} : memref<4096xf32, #tpu.memory_space<vmem>>, vector<16xf32>,
        %add3A_225 = arith.constant 32 : i32
        %add3A_226 = arith.addi %mul3A_179, %add3A_225 : i32
        %swap3A_227 = arith.index_cast %add3A_226 : i32 to index
        %swap3A_228 = tpu.vector_load %arg9[%swap3A_227] {strides = array<i32>} : memref<4096xf32, #tpu.memory_space<vmem>>, vector<16xf32>,
        tpu.vector_store %arg9[%swap3A_227], %gather3A_212 {strides = array<i32>} : memref<4096xf32, #tpu.memory_space<vmem>>, vector<16xf32>,
        %add3A_229 = arith.constant 48 : i32
        %add3A_230 = arith.addi %mul3A_179, %add3A_229 : i32
        %swap3A_231 = arith.index_cast %add3A_230 : i32 to index
        %swap3A_232 = tpu.vector_load %arg9[%swap3A_231] {strides = array<i32>} : memref<4096xf32, #tpu.memory_space<vmem>>, vector<16xf32>,
        tpu.vector_store %arg9[%swap3A_231], %gather3A_213 {strides = array<i32>} : memref<4096xf32, #tpu.memory_space<vmem>>, vector<16xf32>,
        %add3A_233 = arith.constant 64 : i32
        %add3A_234 = arith.addi %mul3A_179, %add3A_233 : i32
        %swap3A_235 = arith.index_cast %add3A_234 : i32 to index
        %swap3A_236 = tpu.vector_load %arg9[%swap3A_235] {strides = array<i32>} : memref<4096xf32, #tpu.memory_space<vmem>>, vector<16xf32>,
        tpu.vector_store %arg9[%swap3A_235], %gather3A_214 {strides = array<i32>} : memref<4096xf32, #tpu.memory_space<vmem>>, vector<16xf32>,
        %add3A_237 = arith.constant 80 : i32
        %add3A_238 = arith.addi %mul3A_179, %add3A_237 : i32
        %swap3A_239 = arith.index_cast %add3A_238 : i32 to index
        %swap3A_240 = tpu.vector_load %arg9[%swap3A_239] {strides = array<i32>} : memref<4096xf32, #tpu.memory_space<vmem>>, vector<16xf32>,
        tpu.vector_store %arg9[%swap3A_239], %gather3A_215 {strides = array<i32>} : memref<4096xf32, #tpu.memory_space<vmem>>, vector<16xf32>,
        %add3A_241 = arith.constant 96 : i32
        %add3A_242 = arith.addi %mul3A_179, %add3A_241 : i32
        %swap3A_243 = arith.index_cast %add3A_242 : i32 to index
        %swap3A_244 = tpu.vector_load %arg9[%swap3A_243] {strides = array<i32>} : memref<4096xf32, #tpu.memory_space<vmem>>, vector<16xf32>,
        tpu.vector_store %arg9[%swap3A_243], %gather3A_216 {strides = array<i32>} : memref<4096xf32, #tpu.memory_space<vmem>>, vector<16xf32>,
        %add3A_245 = arith.constant 112 : i32
        %add3A_246 = arith.addi %mul3A_179, %add3A_245 : i32
        %swap3A_247 = arith.index_cast %add3A_246 : i32 to index
        %swap3A_248 = tpu.vector_load %arg9[%swap3A_247] {strides = array<i32>} : memref<4096xf32, #tpu.memory_space<vmem>>, vector<16xf32>,
        tpu.vector_store %arg9[%swap3A_247], %gather3A_217 {strides = array<i32>} : memref<4096xf32, #tpu.memory_space<vmem>>, vector<16xf32>,
        %scan3A_249 = arith.constant 0 : i32
        scf.yield %scan3A_249 : i32
      }
      %scan3A_106 = arith.constant 32 : i32
      %dma_start3A_107 = arith.constant 4096 : i32
      %dma_start3A_108 = tpu.memref_slice %arg4[%add3A_30, %add3A, %dma_start3A_107] : memref<26x32x16384xf32, #tpu.memory_space<hbm>> -> memref<1x1x4096xf32, #tpu.memory_space<hbm>>
      %dma_start3A_109 = tpu.memref_squeeze %dma_start3A_108 : memref<1x1x4096xf32, #tpu.memory_space<hbm>> -> memref<4096xf32, #tpu.memory_space<hbm>>
      %dma_start3A_110 = arith.constant 4096 : i32
      %dma_start3A_111 = tpu.memref_slice %arg4[%add3A_30, %add3A, %dma_start3A_110] : memref<26x32x16384xf32, #tpu.memory_space<hbm>> -> memref<1x1x4096xf32, #tpu.memory_space<hbm>>
      %dma_start3A_112 = tpu.memref_squeeze %dma_start3A_111 : memref<1x1x4096xf32, #tpu.memory_space<hbm>> -> memref<4096xf32, #tpu.memory_space<hbm>>
      tpu.enqueue_dma source(%arg9 : memref<4096xf32, #tpu.memory_space<vmem>>) target(%dma_start3A_112 : memref<4096xf32, #tpu.memory_space<hbm>>) target_semaphore(%arg14 : memref<!tpu.dma_semaphore, #tpu.memory_space<semaphore_mem>>)
      %dma_start3A_113 = arith.constant 12288 : i32
      %dma_start3A_114 = tpu.memref_slice %arg2[%add3A_30, %dma_start3A_113] : memref<26x16384xi32, #tpu.memory_space<hbm>> -> memref<1x4096xi32, #tpu.memory_space<hbm>>
      %dma_start3A_115 = tpu.memref_squeeze %dma_start3A_114 : memref<1x4096xi32, #tpu.memory_space<hbm>> -> memref<4096xi32, #tpu.memory_space<hbm>>
      %dma_start3A_116 = arith.constant 12288 : i32
      %dma_start3A_117 = tpu.memref_slice %arg2[%add3A_30, %dma_start3A_116] : memref<26x16384xi32, #tpu.memory_space<hbm>> -> memref<1x4096xi32, #tpu.memory_space<hbm>>
      %dma_start3A_118 = tpu.memref_squeeze %dma_start3A_117 : memref<1x4096xi32, #tpu.memory_space<hbm>> -> memref<4096xi32, #tpu.memory_space<hbm>>
      tpu.enqueue_dma source(%dma_start3A_118 : memref<4096xi32, #tpu.memory_space<hbm>>) target(%arg6 : memref<4096xi32, #tpu.memory_space<vmem>>) target_semaphore(%arg12 : memref<!tpu.dma_semaphore, #tpu.memory_space<semaphore_mem>>)
      %dma_wait3A_119 = arith.constant 8192 : i32
      %dma_wait3A_120 = tpu.memref_slice %arg2[%add3A_30, %dma_wait3A_119] : memref<26x16384xi32, #tpu.memory_space<hbm>> -> memref<1x4096xi32, #tpu.memory_space<hbm>>
      %dma_wait3A_121 = tpu.memref_squeeze %dma_wait3A_120 : memref<1x4096xi32, #tpu.memory_space<hbm>> -> memref<4096xi32, #tpu.memory_space<hbm>>
      %dma_wait3A_122 = arith.constant 8192 : i32
      %dma_wait3A_123 = tpu.memref_slice %arg2[%add3A_30, %dma_wait3A_122] : memref<26x16384xi32, #tpu.memory_space<hbm>> -> memref<1x4096xi32, #tpu.memory_space<hbm>>
      %dma_wait3A_124 = tpu.memref_squeeze %dma_wait3A_123 : memref<1x4096xi32, #tpu.memory_space<hbm>> -> memref<4096xi32, #tpu.memory_space<hbm>>
      tpu.wait_dma2 semaphore(%arg11 : memref<!tpu.dma_semaphore, #tpu.memory_space<semaphore_mem>>) src(%dma_wait3A_124 : memref<4096xi32, #tpu.memory_space<hbm>>) dst(%arg5 : memref<4096xi32, #tpu.memory_space<vmem>>)
      %mul3A_125 = arith.constant 4 : i32
      %mul3A_126 = arith.muli %add3A_30, %mul3A_125 : i32
      %add3A_127 = arith.constant 2 : i32
      %add3A_128 = arith.addi %mul3A_126, %add3A_127 : i32
      %ge3A_129 = arith.constant 2 : i32
      %ge3A_130 = arith.cmpi sge, %add3A_128, %ge3A_129 : i32
      %convert_element_type3A_131 = arith.extui %ge3A_130 : i1 to i32
      %cond3A_132 = arith.constant 0 : i32
      %cond3A_133 = arith.cmpi ne, %convert_element_type3A_131, %cond3A_132 : i32
      scf.if %cond3A_133 {
        %dma_wait3A_176 = arith.constant 8192 : i32
        %dma_wait3A_177 = tpu.memref_slice %arg4[%add3A_30, %add3A, %dma_wait3A_176] : memref<26x32x16384xf32, #tpu.memory_space<hbm>> -> memref<1x1x4096xf32, #tpu.memory_space<hbm>>
        %dma_wait3A_178 = tpu.memref_squeeze %dma_wait3A_177 : memref<1x1x4096xf32, #tpu.memory_space<hbm>> -> memref<4096xf32, #tpu.memory_space<hbm>>
        %dma_wait3A_179 = arith.constant 8192 : i32
        %dma_wait3A_180 = tpu.memref_slice %arg4[%add3A_30, %add3A, %dma_wait3A_179] : memref<26x32x16384xf32, #tpu.memory_space<hbm>> -> memref<1x1x4096xf32, #tpu.memory_space<hbm>>
        %dma_wait3A_181 = tpu.memref_squeeze %dma_wait3A_180 : memref<1x1x4096xf32, #tpu.memory_space<hbm>> -> memref<4096xf32, #tpu.memory_space<hbm>>
        tpu.wait_dma2 semaphore(%arg13 : memref<!tpu.dma_semaphore, #tpu.memory_space<semaphore_mem>>) src(%arg8 : memref<4096xf32, #tpu.memory_space<vmem>>) dst(%dma_wait3A_181 : memref<4096xf32, #tpu.memory_space<hbm>>)
      } else {
      }
      %scan3A_134 = arith.constant 0 : i32
      %scan3A_135 = arith.constant 0 : i32
      %scan3A_136 = arith.constant 32 : i32
      %scan3A_137 = arith.addi %scan3A_135, %scan3A_136 : i32
      %scan3A_138 = arith.constant 1 : i32
      %scan3A_139 = scf.for %scan3A_176 = %scan3A_135 to %scan3A_137 step %scan3A_138 iter_args(%scan3A_177 = %scan3A_134) -> (i32)  : i32 {
        %mul3A_178 = arith.constant 128 : i32
        %mul3A_179 = arith.muli %scan3A_176, %mul3A_178 : i32
        %add3A_180 = arith.constant 0 : i32
        %add3A_181 = arith.addi %mul3A_179, %add3A_180 : i32
        %get3A = arith.index_cast %add3A_181 : i32 to index
        %get3A_182 = tpu.vector_load %arg5[%get3A] {strides = array<i32>} : memref<4096xi32, #tpu.memory_space<vmem>>, vector<16xi32>,
        %add3A_183 = arith.constant 16 : i32
        %add3A_184 = arith.addi %mul3A_179, %add3A_183 : i32
        %get3A_185 = arith.index_cast %add3A_184 : i32 to index
        %get3A_186 = tpu.vector_load %arg5[%get3A_185] {strides = array<i32>} : memref<4096xi32, #tpu.memory_space<vmem>>, vector<16xi32>,
        %add3A_187 = arith.constant 32 : i32
        %add3A_188 = arith.addi %mul3A_179, %add3A_187 : i32
        %get3A_189 = arith.index_cast %add3A_188 : i32 to index
        %get3A_190 = tpu.vector_load %arg5[%get3A_189] {strides = array<i32>} : memref<4096xi32, #tpu.memory_space<vmem>>, vector<16xi32>,
        %add3A_191 = arith.constant 48 : i32
        %add3A_192 = arith.addi %mul3A_179, %add3A_191 : i32
        %get3A_193 = arith.index_cast %add3A_192 : i32 to index
        %get3A_194 = tpu.vector_load %arg5[%get3A_193] {strides = array<i32>} : memref<4096xi32, #tpu.memory_space<vmem>>, vector<16xi32>,
        %add3A_195 = arith.constant 64 : i32
        %add3A_196 = arith.addi %mul3A_179, %add3A_195 : i32
        %get3A_197 = arith.index_cast %add3A_196 : i32 to index
        %get3A_198 = tpu.vector_load %arg5[%get3A_197] {strides = array<i32>} : memref<4096xi32, #tpu.memory_space<vmem>>, vector<16xi32>,
        %add3A_199 = arith.constant 80 : i32
        %add3A_200 = arith.addi %mul3A_179, %add3A_199 : i32
        %get3A_201 = arith.index_cast %add3A_200 : i32 to index
        %get3A_202 = tpu.vector_load %arg5[%get3A_201] {strides = array<i32>} : memref<4096xi32, #tpu.memory_space<vmem>>, vector<16xi32>,
        %add3A_203 = arith.constant 96 : i32
        %add3A_204 = arith.addi %mul3A_179, %add3A_203 : i32
        %get3A_205 = arith.index_cast %add3A_204 : i32 to index
        %get3A_206 = tpu.vector_load %arg5[%get3A_205] {strides = array<i32>} : memref<4096xi32, #tpu.memory_space<vmem>>, vector<16xi32>,
        %add3A_207 = arith.constant 112 : i32
        %add3A_208 = arith.addi %mul3A_179, %add3A_207 : i32
        %get3A_209 = arith.index_cast %add3A_208 : i32 to index
        %get3A_210 = tpu.vector_load %arg5[%get3A_209] {strides = array<i32>} : memref<4096xi32, #tpu.memory_space<vmem>>, vector<16xi32>,
        %gather3A = tpu.vector_load_idx %arg7[%get3A_182] : memref<100001xf32, #tpu.memory_space<vmem>>[vector<16xi32>], vector<16xf32>,
        %gather3A_211 = tpu.vector_load_idx %arg7[%get3A_186] : memref<100001xf32, #tpu.memory_space<vmem>>[vector<16xi32>], vector<16xf32>,
        %gather3A_212 = tpu.vector_load_idx %arg7[%get3A_190] : memref<100001xf32, #tpu.memory_space<vmem>>[vector<16xi32>], vector<16xf32>,
        %gather3A_213 = tpu.vector_load_idx %arg7[%get3A_194] : memref<100001xf32, #tpu.memory_space<vmem>>[vector<16xi32>], vector<16xf32>,
        %gather3A_214 = tpu.vector_load_idx %arg7[%get3A_198] : memref<100001xf32, #tpu.memory_space<vmem>>[vector<16xi32>], vector<16xf32>,
        %gather3A_215 = tpu.vector_load_idx %arg7[%get3A_202] : memref<100001xf32, #tpu.memory_space<vmem>>[vector<16xi32>], vector<16xf32>,
        %gather3A_216 = tpu.vector_load_idx %arg7[%get3A_206] : memref<100001xf32, #tpu.memory_space<vmem>>[vector<16xi32>], vector<16xf32>,
        %gather3A_217 = tpu.vector_load_idx %arg7[%get3A_210] : memref<100001xf32, #tpu.memory_space<vmem>>[vector<16xi32>], vector<16xf32>,
        %add3A_218 = arith.constant 0 : i32
        %add3A_219 = arith.addi %mul3A_179, %add3A_218 : i32
        %swap3A = arith.index_cast %add3A_219 : i32 to index
        %swap3A_220 = tpu.vector_load %arg8[%swap3A] {strides = array<i32>} : memref<4096xf32, #tpu.memory_space<vmem>>, vector<16xf32>,
        tpu.vector_store %arg8[%swap3A], %gather3A {strides = array<i32>} : memref<4096xf32, #tpu.memory_space<vmem>>, vector<16xf32>,
        %add3A_221 = arith.constant 16 : i32
        %add3A_222 = arith.addi %mul3A_179, %add3A_221 : i32
        %swap3A_223 = arith.index_cast %add3A_222 : i32 to index
        %swap3A_224 = tpu.vector_load %arg8[%swap3A_223] {strides = array<i32>} : memref<4096xf32, #tpu.memory_space<vmem>>, vector<16xf32>,
        tpu.vector_store %arg8[%swap3A_223], %gather3A_211 {strides = array<i32>} : memref<4096xf32, #tpu.memory_space<vmem>>, vector<16xf32>,
        %add3A_225 = arith.constant 32 : i32
        %add3A_226 = arith.addi %mul3A_179, %add3A_225 : i32
        %swap3A_227 = arith.index_cast %add3A_226 : i32 to index
        %swap3A_228 = tpu.vector_load %arg8[%swap3A_227] {strides = array<i32>} : memref<4096xf32, #tpu.memory_space<vmem>>, vector<16xf32>,
        tpu.vector_store %arg8[%swap3A_227], %gather3A_212 {strides = array<i32>} : memref<4096xf32, #tpu.memory_space<vmem>>, vector<16xf32>,
        %add3A_229 = arith.constant 48 : i32
        %add3A_230 = arith.addi %mul3A_179, %add3A_229 : i32
        %swap3A_231 = arith.index_cast %add3A_230 : i32 to index
        %swap3A_232 = tpu.vector_load %arg8[%swap3A_231] {strides = array<i32>} : memref<4096xf32, #tpu.memory_space<vmem>>, vector<16xf32>,
        tpu.vector_store %arg8[%swap3A_231], %gather3A_213 {strides = array<i32>} : memref<4096xf32, #tpu.memory_space<vmem>>, vector<16xf32>,
        %add3A_233 = arith.constant 64 : i32
        %add3A_234 = arith.addi %mul3A_179, %add3A_233 : i32
        %swap3A_235 = arith.index_cast %add3A_234 : i32 to index
        %swap3A_236 = tpu.vector_load %arg8[%swap3A_235] {strides = array<i32>} : memref<4096xf32, #tpu.memory_space<vmem>>, vector<16xf32>,
        tpu.vector_store %arg8[%swap3A_235], %gather3A_214 {strides = array<i32>} : memref<4096xf32, #tpu.memory_space<vmem>>, vector<16xf32>,
        %add3A_237 = arith.constant 80 : i32
        %add3A_238 = arith.addi %mul3A_179, %add3A_237 : i32
        %swap3A_239 = arith.index_cast %add3A_238 : i32 to index
        %swap3A_240 = tpu.vector_load %arg8[%swap3A_239] {strides = array<i32>} : memref<4096xf32, #tpu.memory_space<vmem>>, vector<16xf32>,
        tpu.vector_store %arg8[%swap3A_239], %gather3A_215 {strides = array<i32>} : memref<4096xf32, #tpu.memory_space<vmem>>, vector<16xf32>,
        %add3A_241 = arith.constant 96 : i32
        %add3A_242 = arith.addi %mul3A_179, %add3A_241 : i32
        %swap3A_243 = arith.index_cast %add3A_242 : i32 to index
        %swap3A_244 = tpu.vector_load %arg8[%swap3A_243] {strides = array<i32>} : memref<4096xf32, #tpu.memory_space<vmem>>, vector<16xf32>,
        tpu.vector_store %arg8[%swap3A_243], %gather3A_216 {strides = array<i32>} : memref<4096xf32, #tpu.memory_space<vmem>>, vector<16xf32>,
        %add3A_245 = arith.constant 112 : i32
        %add3A_246 = arith.addi %mul3A_179, %add3A_245 : i32
        %swap3A_247 = arith.index_cast %add3A_246 : i32 to index
        %swap3A_248 = tpu.vector_load %arg8[%swap3A_247] {strides = array<i32>} : memref<4096xf32, #tpu.memory_space<vmem>>, vector<16xf32>,
        tpu.vector_store %arg8[%swap3A_247], %gather3A_217 {strides = array<i32>} : memref<4096xf32, #tpu.memory_space<vmem>>, vector<16xf32>,
        %scan3A_249 = arith.constant 0 : i32
        scf.yield %scan3A_249 : i32
      }
      %scan3A_140 = arith.constant 32 : i32
      %dma_start3A_141 = arith.constant 8192 : i32
      %dma_start3A_142 = tpu.memref_slice %arg4[%add3A_30, %add3A, %dma_start3A_141] : memref<26x32x16384xf32, #tpu.memory_space<hbm>> -> memref<1x1x4096xf32, #tpu.memory_space<hbm>>
      %dma_start3A_143 = tpu.memref_squeeze %dma_start3A_142 : memref<1x1x4096xf32, #tpu.memory_space<hbm>> -> memref<4096xf32, #tpu.memory_space<hbm>>
      %dma_start3A_144 = arith.constant 8192 : i32
      %dma_start3A_145 = tpu.memref_slice %arg4[%add3A_30, %add3A, %dma_start3A_144] : memref<26x32x16384xf32, #tpu.memory_space<hbm>> -> memref<1x1x4096xf32, #tpu.memory_space<hbm>>
      %dma_start3A_146 = tpu.memref_squeeze %dma_start3A_145 : memref<1x1x4096xf32, #tpu.memory_space<hbm>> -> memref<4096xf32, #tpu.memory_space<hbm>>
      tpu.enqueue_dma source(%arg8 : memref<4096xf32, #tpu.memory_space<vmem>>) target(%dma_start3A_146 : memref<4096xf32, #tpu.memory_space<hbm>>) target_semaphore(%arg13 : memref<!tpu.dma_semaphore, #tpu.memory_space<semaphore_mem>>)
      %dma_wait3A_147 = arith.constant 12288 : i32
      %dma_wait3A_148 = tpu.memref_slice %arg2[%add3A_30, %dma_wait3A_147] : memref<26x16384xi32, #tpu.memory_space<hbm>> -> memref<1x4096xi32, #tpu.memory_space<hbm>>
      %dma_wait3A_149 = tpu.memref_squeeze %dma_wait3A_148 : memref<1x4096xi32, #tpu.memory_space<hbm>> -> memref<4096xi32, #tpu.memory_space<hbm>>
      %dma_wait3A_150 = arith.constant 12288 : i32
      %dma_wait3A_151 = tpu.memref_slice %arg2[%add3A_30, %dma_wait3A_150] : memref<26x16384xi32, #tpu.memory_space<hbm>> -> memref<1x4096xi32, #tpu.memory_space<hbm>>
      %dma_wait3A_152 = tpu.memref_squeeze %dma_wait3A_151 : memref<1x4096xi32, #tpu.memory_space<hbm>> -> memref<4096xi32, #tpu.memory_space<hbm>>
      tpu.wait_dma2 semaphore(%arg12 : memref<!tpu.dma_semaphore, #tpu.memory_space<semaphore_mem>>) src(%dma_wait3A_152 : memref<4096xi32, #tpu.memory_space<hbm>>) dst(%arg6 : memref<4096xi32, #tpu.memory_space<vmem>>)
      %mul3A_153 = arith.constant 4 : i32
      %mul3A_154 = arith.muli %add3A_30, %mul3A_153 : i32
      %add3A_155 = arith.constant 3 : i32
      %add3A_156 = arith.addi %mul3A_154, %add3A_155 : i32
      %ge3A_157 = arith.constant 2 : i32
      %ge3A_158 = arith.cmpi sge, %add3A_156, %ge3A_157 : i32
      %convert_element_type3A_159 = arith.extui %ge3A_158 : i1 to i32
      %cond3A_160 = arith.constant 0 : i32
      %cond3A_161 = arith.cmpi ne, %convert_element_type3A_159, %cond3A_160 : i32
      scf.if %cond3A_161 {
        %dma_wait3A_176 = arith.constant 12288 : i32
        %dma_wait3A_177 = tpu.memref_slice %arg4[%add3A_30, %add3A, %dma_wait3A_176] : memref<26x32x16384xf32, #tpu.memory_space<hbm>> -> memref<1x1x4096xf32, #tpu.memory_space<hbm>>
        %dma_wait3A_178 = tpu.memref_squeeze %dma_wait3A_177 : memref<1x1x4096xf32, #tpu.memory_space<hbm>> -> memref<4096xf32, #tpu.memory_space<hbm>>
        %dma_wait3A_179 = arith.constant 12288 : i32
        %dma_wait3A_180 = tpu.memref_slice %arg4[%add3A_30, %add3A, %dma_wait3A_179] : memref<26x32x16384xf32, #tpu.memory_space<hbm>> -> memref<1x1x4096xf32, #tpu.memory_space<hbm>>
        %dma_wait3A_181 = tpu.memref_squeeze %dma_wait3A_180 : memref<1x1x4096xf32, #tpu.memory_space<hbm>> -> memref<4096xf32, #tpu.memory_space<hbm>>
        tpu.wait_dma2 semaphore(%arg14 : memref<!tpu.dma_semaphore, #tpu.memory_space<semaphore_mem>>) src(%arg9 : memref<4096xf32, #tpu.memory_space<vmem>>) dst(%dma_wait3A_181 : memref<4096xf32, #tpu.memory_space<hbm>>)
      } else {
      }
      %scan3A_162 = arith.constant 0 : i32
      %scan3A_163 = arith.constant 0 : i32
      %scan3A_164 = arith.constant 32 : i32
      %scan3A_165 = arith.addi %scan3A_163, %scan3A_164 : i32
      %scan3A_166 = arith.constant 1 : i32
      %scan3A_167 = scf.for %scan3A_176 = %scan3A_163 to %scan3A_165 step %scan3A_166 iter_args(%scan3A_177 = %scan3A_162) -> (i32)  : i32 {
        %mul3A_178 = arith.constant 128 : i32
        %mul3A_179 = arith.muli %scan3A_176, %mul3A_178 : i32
        %add3A_180 = arith.constant 0 : i32
        %add3A_181 = arith.addi %mul3A_179, %add3A_180 : i32
        %get3A = arith.index_cast %add3A_181 : i32 to index
        %get3A_182 = tpu.vector_load %arg6[%get3A] {strides = array<i32>} : memref<4096xi32, #tpu.memory_space<vmem>>, vector<16xi32>,
        %add3A_183 = arith.constant 16 : i32
        %add3A_184 = arith.addi %mul3A_179, %add3A_183 : i32
        %get3A_185 = arith.index_cast %add3A_184 : i32 to index
        %get3A_186 = tpu.vector_load %arg6[%get3A_185] {strides = array<i32>} : memref<4096xi32, #tpu.memory_space<vmem>>, vector<16xi32>,
        %add3A_187 = arith.constant 32 : i32
        %add3A_188 = arith.addi %mul3A_179, %add3A_187 : i32
        %get3A_189 = arith.index_cast %add3A_188 : i32 to index
        %get3A_190 = tpu.vector_load %arg6[%get3A_189] {strides = array<i32>} : memref<4096xi32, #tpu.memory_space<vmem>>, vector<16xi32>,
        %add3A_191 = arith.constant 48 : i32
        %add3A_192 = arith.addi %mul3A_179, %add3A_191 : i32
        %get3A_193 = arith.index_cast %add3A_192 : i32 to index
        %get3A_194 = tpu.vector_load %arg6[%get3A_193] {strides = array<i32>} : memref<4096xi32, #tpu.memory_space<vmem>>, vector<16xi32>,
        %add3A_195 = arith.constant 64 : i32
        %add3A_196 = arith.addi %mul3A_179, %add3A_195 : i32
        %get3A_197 = arith.index_cast %add3A_196 : i32 to index
        %get3A_198 = tpu.vector_load %arg6[%get3A_197] {strides = array<i32>} : memref<4096xi32, #tpu.memory_space<vmem>>, vector<16xi32>,
        %add3A_199 = arith.constant 80 : i32
        %add3A_200 = arith.addi %mul3A_179, %add3A_199 : i32
        %get3A_201 = arith.index_cast %add3A_200 : i32 to index
        %get3A_202 = tpu.vector_load %arg6[%get3A_201] {strides = array<i32>} : memref<4096xi32, #tpu.memory_space<vmem>>, vector<16xi32>,
        %add3A_203 = arith.constant 96 : i32
        %add3A_204 = arith.addi %mul3A_179, %add3A_203 : i32
        %get3A_205 = arith.index_cast %add3A_204 : i32 to index
        %get3A_206 = tpu.vector_load %arg6[%get3A_205] {strides = array<i32>} : memref<4096xi32, #tpu.memory_space<vmem>>, vector<16xi32>,
        %add3A_207 = arith.constant 112 : i32
        %add3A_208 = arith.addi %mul3A_179, %add3A_207 : i32
        %get3A_209 = arith.index_cast %add3A_208 : i32 to index
        %get3A_210 = tpu.vector_load %arg6[%get3A_209] {strides = array<i32>} : memref<4096xi32, #tpu.memory_space<vmem>>, vector<16xi32>,
        %gather3A = tpu.vector_load_idx %arg7[%get3A_182] : memref<100001xf32, #tpu.memory_space<vmem>>[vector<16xi32>], vector<16xf32>,
        %gather3A_211 = tpu.vector_load_idx %arg7[%get3A_186] : memref<100001xf32, #tpu.memory_space<vmem>>[vector<16xi32>], vector<16xf32>,
        %gather3A_212 = tpu.vector_load_idx %arg7[%get3A_190] : memref<100001xf32, #tpu.memory_space<vmem>>[vector<16xi32>], vector<16xf32>,
        %gather3A_213 = tpu.vector_load_idx %arg7[%get3A_194] : memref<100001xf32, #tpu.memory_space<vmem>>[vector<16xi32>], vector<16xf32>,
        %gather3A_214 = tpu.vector_load_idx %arg7[%get3A_198] : memref<100001xf32, #tpu.memory_space<vmem>>[vector<16xi32>], vector<16xf32>,
        %gather3A_215 = tpu.vector_load_idx %arg7[%get3A_202] : memref<100001xf32, #tpu.memory_space<vmem>>[vector<16xi32>], vector<16xf32>,
        %gather3A_216 = tpu.vector_load_idx %arg7[%get3A_206] : memref<100001xf32, #tpu.memory_space<vmem>>[vector<16xi32>], vector<16xf32>,
        %gather3A_217 = tpu.vector_load_idx %arg7[%get3A_210] : memref<100001xf32, #tpu.memory_space<vmem>>[vector<16xi32>], vector<16xf32>,
        %add3A_218 = arith.constant 0 : i32
        %add3A_219 = arith.addi %mul3A_179, %add3A_218 : i32
        %swap3A = arith.index_cast %add3A_219 : i32 to index
        %swap3A_220 = tpu.vector_load %arg9[%swap3A] {strides = array<i32>} : memref<4096xf32, #tpu.memory_space<vmem>>, vector<16xf32>,
        tpu.vector_store %arg9[%swap3A], %gather3A {strides = array<i32>} : memref<4096xf32, #tpu.memory_space<vmem>>, vector<16xf32>,
        %add3A_221 = arith.constant 16 : i32
        %add3A_222 = arith.addi %mul3A_179, %add3A_221 : i32
        %swap3A_223 = arith.index_cast %add3A_222 : i32 to index
        %swap3A_224 = tpu.vector_load %arg9[%swap3A_223] {strides = array<i32>} : memref<4096xf32, #tpu.memory_space<vmem>>, vector<16xf32>,
        tpu.vector_store %arg9[%swap3A_223], %gather3A_211 {strides = array<i32>} : memref<4096xf32, #tpu.memory_space<vmem>>, vector<16xf32>,
        %add3A_225 = arith.constant 32 : i32
        %add3A_226 = arith.addi %mul3A_179, %add3A_225 : i32
        %swap3A_227 = arith.index_cast %add3A_226 : i32 to index
        %swap3A_228 = tpu.vector_load %arg9[%swap3A_227] {strides = array<i32>} : memref<4096xf32, #tpu.memory_space<vmem>>, vector<16xf32>,
        tpu.vector_store %arg9[%swap3A_227], %gather3A_212 {strides = array<i32>} : memref<4096xf32, #tpu.memory_space<vmem>>, vector<16xf32>,
        %add3A_229 = arith.constant 48 : i32
        %add3A_230 = arith.addi %mul3A_179, %add3A_229 : i32
        %swap3A_231 = arith.index_cast %add3A_230 : i32 to index
        %swap3A_232 = tpu.vector_load %arg9[%swap3A_231] {strides = array<i32>} : memref<4096xf32, #tpu.memory_space<vmem>>, vector<16xf32>,
        tpu.vector_store %arg9[%swap3A_231], %gather3A_213 {strides = array<i32>} : memref<4096xf32, #tpu.memory_space<vmem>>, vector<16xf32>,
        %add3A_233 = arith.constant 64 : i32
        %add3A_234 = arith.addi %mul3A_179, %add3A_233 : i32
        %swap3A_235 = arith.index_cast %add3A_234 : i32 to index
        %swap3A_236 = tpu.vector_load %arg9[%swap3A_235] {strides = array<i32>} : memref<4096xf32, #tpu.memory_space<vmem>>, vector<16xf32>,
        tpu.vector_store %arg9[%swap3A_235], %gather3A_214 {strides = array<i32>} : memref<4096xf32, #tpu.memory_space<vmem>>, vector<16xf32>,
        %add3A_237 = arith.constant 80 : i32
        %add3A_238 = arith.addi %mul3A_179, %add3A_237 : i32
        %swap3A_239 = arith.index_cast %add3A_238 : i32 to index
        %swap3A_240 = tpu.vector_load %arg9[%swap3A_239] {strides = array<i32>} : memref<4096xf32, #tpu.memory_space<vmem>>, vector<16xf32>,
        tpu.vector_store %arg9[%swap3A_239], %gather3A_215 {strides = array<i32>} : memref<4096xf32, #tpu.memory_space<vmem>>, vector<16xf32>,
        %add3A_241 = arith.constant 96 : i32
        %add3A_242 = arith.addi %mul3A_179, %add3A_241 : i32
        %swap3A_243 = arith.index_cast %add3A_242 : i32 to index
        %swap3A_244 = tpu.vector_load %arg9[%swap3A_243] {strides = array<i32>} : memref<4096xf32, #tpu.memory_space<vmem>>, vector<16xf32>,
        tpu.vector_store %arg9[%swap3A_243], %gather3A_216 {strides = array<i32>} : memref<4096xf32, #tpu.memory_space<vmem>>, vector<16xf32>,
        %add3A_245 = arith.constant 112 : i32
        %add3A_246 = arith.addi %mul3A_179, %add3A_245 : i32
        %swap3A_247 = arith.index_cast %add3A_246 : i32 to index
        %swap3A_248 = tpu.vector_load %arg9[%swap3A_247] {strides = array<i32>} : memref<4096xf32, #tpu.memory_space<vmem>>, vector<16xf32>,
        tpu.vector_store %arg9[%swap3A_247], %gather3A_217 {strides = array<i32>} : memref<4096xf32, #tpu.memory_space<vmem>>, vector<16xf32>,
        %scan3A_249 = arith.constant 0 : i32
        scf.yield %scan3A_249 : i32
      }
      %scan3A_168 = arith.constant 32 : i32
      %dma_start3A_169 = arith.constant 12288 : i32
      %dma_start3A_170 = tpu.memref_slice %arg4[%add3A_30, %add3A, %dma_start3A_169] : memref<26x32x16384xf32, #tpu.memory_space<hbm>> -> memref<1x1x4096xf32, #tpu.memory_space<hbm>>
      %dma_start3A_171 = tpu.memref_squeeze %dma_start3A_170 : memref<1x1x4096xf32, #tpu.memory_space<hbm>> -> memref<4096xf32, #tpu.memory_space<hbm>>
      %dma_start3A_172 = arith.constant 12288 : i32
      %dma_start3A_173 = tpu.memref_slice %arg4[%add3A_30, %add3A, %dma_start3A_172] : memref<26x32x16384xf32, #tpu.memory_space<hbm>> -> memref<1x1x4096xf32, #tpu.memory_space<hbm>>
      %dma_start3A_174 = tpu.memref_squeeze %dma_start3A_173 : memref<1x1x4096xf32, #tpu.memory_space<hbm>> -> memref<4096xf32, #tpu.memory_space<hbm>>
      tpu.enqueue_dma source(%arg9 : memref<4096xf32, #tpu.memory_space<vmem>>) target(%dma_start3A_174 : memref<4096xf32, #tpu.memory_space<hbm>>) target_semaphore(%arg14 : memref<!tpu.dma_semaphore, #tpu.memory_space<semaphore_mem>>)
      %scan3A_175 = arith.constant 0 : i32
      scf.yield %scan3A_175 : i32
    }
    %scan3A_13 = arith.constant 13 : i32
    %dma_wait3A = arith.constant 25 : i32
    %dma_wait3A_14 = arith.constant 8192 : i32
    %dma_wait3A_15 = tpu.memref_slice %arg4[%dma_wait3A, %add3A, %dma_wait3A_14] : memref<26x32x16384xf32, #tpu.memory_space<hbm>> -> memref<1x1x4096xf32, #tpu.memory_space<hbm>>
    %dma_wait3A_16 = tpu.memref_squeeze %dma_wait3A_15 : memref<1x1x4096xf32, #tpu.memory_space<hbm>> -> memref<4096xf32, #tpu.memory_space<hbm>>
    %dma_wait3A_17 = arith.constant 8192 : i32
    %dma_wait3A_18 = tpu.memref_slice %arg4[%dma_wait3A, %add3A, %dma_wait3A_17] : memref<26x32x16384xf32, #tpu.memory_space<hbm>> -> memref<1x1x4096xf32, #tpu.memory_space<hbm>>
    %dma_wait3A_19 = tpu.memref_squeeze %dma_wait3A_18 : memref<1x1x4096xf32, #tpu.memory_space<hbm>> -> memref<4096xf32, #tpu.memory_space<hbm>>
    tpu.wait_dma2 semaphore(%arg13 : memref<!tpu.dma_semaphore, #tpu.memory_space<semaphore_mem>>) src(%arg8 : memref<4096xf32, #tpu.memory_space<vmem>>) dst(%dma_wait3A_19 : memref<4096xf32, #tpu.memory_space<hbm>>)
    %dma_wait3A_20 = arith.constant 25 : i32
    %dma_wait3A_21 = arith.constant 12288 : i32
    %dma_wait3A_22 = tpu.memref_slice %arg4[%dma_wait3A_20, %add3A, %dma_wait3A_21] : memref<26x32x16384xf32, #tpu.memory_space<hbm>> -> memref<1x1x4096xf32, #tpu.memory_space<hbm>>
    %dma_wait3A_23 = tpu.memref_squeeze %dma_wait3A_22 : memref<1x1x4096xf32, #tpu.memory_space<hbm>> -> memref<4096xf32, #tpu.memory_space<hbm>>
    %dma_wait3A_24 = arith.constant 12288 : i32
    %dma_wait3A_25 = tpu.memref_slice %arg4[%dma_wait3A_20, %add3A, %dma_wait3A_24] : memref<26x32x16384xf32, #tpu.memory_space<hbm>> -> memref<1x1x4096xf32, #tpu.memory_space<hbm>>
    %dma_wait3A_26 = tpu.memref_squeeze %dma_wait3A_25 : memref<1x1x4096xf32, #tpu.memory_space<hbm>> -> memref<4096xf32, #tpu.memory_space<hbm>>
    tpu.wait_dma2 semaphore(%arg14 : memref<!tpu.dma_semaphore, #tpu.memory_space<semaphore_mem>>) src(%arg9 : memref<4096xf32, #tpu.memory_space<vmem>>) dst(%dma_wait3A_26 : memref<4096xf32, #tpu.memory_space<hbm>>)
    return
  }
}

</mosaic_0001>

<sc_bundles>
// kernel: kernel.3.cloned.1.call-start
scs
__scs_entry_jumppad:
0x0: {  	(pc) =	sbr.rel $0x88, $3  }
0x1: {  	(tag) =	ssettag $0x0;
	lr =	simm.s32 $0x1  }
0x2: {  	[smem:$0x3F9F] =	sst lr;
	_ =	strace $0xD0000000  }
0x3: {  	_ = 	snop  }
0x4: {  	_ = 	snop  }
0x5: {  	_ = 	snop  }
0x6: {  	_ = 	snop  }
0x7: {  	_ = 	snop  }
__scs_overlays_trampoline_lowered:
0x8: {  	[smem:$0x3FAE] =	sst s0  }
0x9: {  	[smem:$0x3FAF] =	sst s1  }
0xa: {  	[smem:$0x3FB0] =	sst s2  }
0xb: {  	[smem:$0x3FB1] =	sst s3  }
0xc: {  	[smem:$0x3FB2] =	sst s4  }
0xd: {  	[smem:$0x3FB3] =	sst s5  }
0xe: {  	[smem:$0x3FB4] =	sst s6  }
0xf: {  	[smem:$0x3FB5] =	sst s7  }
0x10: {  	[smem:$0x3FB6] =	sst s8  }
0x11: {  	[smem:$0x3FB7] =	sst s9;
	s0 =	simm.s32 @!p0 $0x0  }
0x12: {  	s1 =	sld [smem:$0x3F9D];
	s0 =	simm.s32 @p0 $0x1  }
0x13: {  	[smem:$0x3FB8] =	sst s0;
	s0 =	simm.s32 @!p1 $0x0  }
0x14: {  	s2 =	sld [smem:$0x3F9C];
	s0 =	simm.s32 @p1 $0x1  }
0x15: {  	[smem:$0x3FB9] =	sst s0;
	s0 =	simm.s32 @!p2 $0x0  }
0x16: {  	s3 =	sld [smem:$0x3FDB];
	s0 =	simm.s32 @p2 $0x1  }
0x17: {  	s4 =	simm.s32 $0x1BF5;
	[smem:$0x3FBB] =	sst s0  }
0x18: {  	s0 =	sld [smem:$0x3F9E];
	_ =	swait.ge [sflag:s4], $0x0  }
0x19: {  	s7 =	sld [smem:$0x3F9F]  }
0x1a: {  	s8 =	sadd.s32 $0xFFFFE003, lr  }
0x1b: {  	s9 =	sadd.s32 $0xFFFFFEF7, lr;
	s5 =	simm.s32 $0xFFFFFFFF;
	p2 =	slt.u32 s8, $0xFFFFF086  }
0x1c: {  	p1 =	slt.u32 s9, $0xF7A;
	s5 =	simm.s32 @!p2 $0x0  }
0x1d: {  	s5 =	simm.s32 @p1 $0x1;
	p0 =	seq.s32 s7, s2  }
0x1e: {  	s7 =	smul.u32 @!p0 $0xF7A, s2;
	p2 =	seq.s32 @!p0 s5, $0x0  }
0x1f: {  	s9 =	smul.u32 $0xF7A, s1;
	s8 =	simm.s32 @!p0 $0x1BF5;
	p2 =	por !p2, p0  }
0x20: {  	[sflag:s8] =	ssyncset.s32 @!p0 $0xFFFFF086;
	s6 =	sadd.s32 @!p0 s3, s7;
	s7 =	simm.s32 @!p0 $0x108  }
0x21: {  	s3 =	sadd.s32 s3, s9;
	s6 =	sadd.s32 @!p0 $0x88, s6;
	s7 =	simm.s32 @p2 $0x1082  }
0x22: {  	[simem:s7], [sflag:s8] =	dma.local @!p0 [hbm:s6], $0xF7A  }
0x23: {  	s9 =	sor.u32 $0xD0000000, s2;
	s6 =	simm.s32 $0x108;
	_ =	swait.ge @!p0 [sflag:s8], $0x0  }
0x24: {  	s3 =	sadd.s32 $0x88, s3;
	s6 =	simm.s32 @!p1 $0x1082;
	[sflag:s4] =	ssyncset.s32 $0xFFFFF086  }
0x25: {  	[simem:s6], [sflag:s4] =	dma.local [hbm:s3], $0xF7A  }
0x26: {  	[smem:$0x3F9F] =	sst s1;
	(tag) =	ssettag s2;
	_ =	strace s9  }
0x27: {  	s1 =	sld [smem:$0x3FAF]  }
0x28: {  	s2 =	sld [smem:$0x3FB0]  }
0x29: {  	s4 =	sld [smem:$0x3FB2]  }
0x2a: {  	p0 =	seq.s32 s5, $0x0;
	s5 =	sld [smem:$0x3FB3]  }
0x2b: {  	s6 =	sld [smem:$0x3FB4]  }
0x2c: {  	s7 =	sld [smem:$0x3FB5]  }
0x2d: {  	s3 =	simm.s32 $0x108;
	s8 =	sld [smem:$0x3FB6]  }
0x2e: {  	s3 =	simm.s32 @!p0 $0x1082;
	s9 =	sld [smem:$0x3FB7]  }
0x2f: {  	lr =	sadd.s32 s0, s3;
	s0 =	sld [smem:$0x3FAE]  }
0x30: {  	s3 =	sld [smem:$0x3FB1]  }
0x31: {  	[smem:$0x3FBA] =	sst s10  }
0x32: {  	s10 =	sld [smem:$0x3FB8];
	_ =	sdelay $0x3  }
0x33: {  	p0 =	seq.s32 s10, $0x1;
	s10 =	sld [smem:$0x3FBA];
	_ =	sdelay $0x3  }
0x34: {  	[smem:$0x3FBA] =	sst s10  }
0x35: {  	s10 =	sld [smem:$0x3FB9];
	_ =	sdelay $0x3  }
0x36: {  	p1 =	seq.s32 s10, $0x1;
	s10 =	sld [smem:$0x3FBA];
	_ =	sdelay $0x3  }
0x37: {  	[smem:$0x3FBA] =	sst s10  }
0x38: {  	s10 =	sld [smem:$0x3FBB]  }
0x39: {  	_ = 	snop;
	(pc) =	sbr.ind lr, $3  }
0x3a: {  	_ = 	snop  }
0x3b: {  	_ = 	snop  }
0x3c: {  	p2 =	seq.s32 s10, $0x1;
	s10 =	sld [smem:$0x3FBA]  }
0x3d: {  	_ =	shalt  }
0x3e: {  	_ =	shalt  }
0x3f: {  	_ =	shalt  }
0x40: {  	_ =	shalt  }
0x41: {  	_ =	shalt  }
0x42: {  	_ =	shalt  }
0x43: {  	_ =	shalt  }
0x44: {  	_ =	shalt  }
0x45: {  	_ =	shalt  }
0x46: {  	_ =	shalt  }
0x47: {  	_ =	shalt  }
0x48: {  	_ =	shalt  }
0x49: {  	_ =	shalt  }
0x4a: {  	_ =	shalt  }
0x4b: {  	_ =	shalt  }
0x4c: {  	_ =	shalt  }
0x4d: {  	_ =	shalt  }
0x4e: {  	_ =	shalt  }
0x4f: {  	_ =	shalt  }
0x50: {  	_ =	shalt  }
0x51: {  	_ =	shalt  }
0x52: {  	_ =	shalt  }
0x53: {  	_ =	shalt  }
0x54: {  	_ =	shalt  }
0x55: {  	_ =	shalt  }
0x56: {  	_ =	shalt  }
0x57: {  	_ =	shalt  }
0x58: {  	_ =	shalt  }
0x59: {  	_ =	shalt  }
0x5a: {  	_ =	shalt  }
0x5b: {  	_ =	shalt  }
0x5c: {  	_ =	shalt  }
0x5d: {  	_ =	shalt  }
0x5e: {  	_ =	shalt  }
0x5f: {  	_ =	shalt  }
0x60: {  	_ =	shalt  }
0x61: {  	_ =	shalt  }
0x62: {  	_ =	shalt  }
0x63: {  	_ =	shalt  }
0x64: {  	_ =	shalt  }
0x65: {  	_ =	shalt  }
0x66: {  	_ =	shalt  }
0x67: {  	_ =	shalt  }
0x68: {  	_ =	shalt  }
0x69: {  	_ =	shalt  }
0x6a: {  	_ =	shalt  }
0x6b: {  	_ =	shalt  }
0x6c: {  	_ =	shalt  }
0x6d: {  	_ =	shalt  }
0x6e: {  	_ =	shalt  }
0x6f: {  	_ =	shalt  }
0x70: {  	_ =	shalt  }
0x71: {  	_ =	shalt  }
0x72: {  	_ =	shalt  }
0x73: {  	_ =	shalt  }
0x74: {  	_ =	shalt  }
0x75: {  	_ =	shalt  }
0x76: {  	_ =	shalt  }
0x77: {  	_ =	shalt  }
0x78: {  	_ =	shalt  }
0x79: {  	_ =	shalt  }
0x7a: {  	_ =	shalt  }
0x7b: {  	_ =	shalt  }
0x7c: {  	_ =	shalt  }
0x7d: {  	_ =	shalt  }
0x7e: {  	_ =	shalt  }
0x7f: {  	_ =	shalt  }
0x80: {  	_ =	shalt  }
0x81: {  	_ =	shalt  }
0x82: {  	_ =	shalt  }
0x83: {  	_ =	shalt  }
0x84: {  	_ =	shalt  }
0x85: {  	_ =	shalt  }
0x86: {  	_ =	shalt  }
0x87: {  	_ =	shalt  }
.Lfunc_end0:
.L_simem_size_0:
called_computation_lowered:
.L_overlay_start_0:
0x88: {  	s2 =	sld [smem:$0x3FD9]  }
0x89: {  	s3 =	sld [smem:$0x3FFE];
	_ =	sdelay $0x1  }
0x8a: {  	s1 =	srdreg.scid  }
0x8b: {  	s0 =	sand.u32 $0x1, s1  }
0x8c: {  	s18 =	sshll.u32 s0, $0xA;
	s2 =	sadd.s32 s3, s2  }
0x8d: {  	s2 =	sadd.s32 s2, s18  }
0x8e: {  	[smem:$0x3FC6] =	sst s2  }
0x8f: {  	_ = 	snop  }
0x90: {  	s2 =	sld [smem:$0x3FC9]  }
0x91: {  	s19 =	sld [smem:$0x3FC8]  }
0x92: {  	s4 =	sld [smem:$0x3FD0];
	(tm) =	ssettm $0x1  }
0x93: {  	s5 =	sld [smem:$0x3FFB];
	_ =	sdelay $0x3  }
0x94: {  	_ =	strace s5  }
0x95: {  	s5 =	sld [smem:$0x3FFC];
	_ =	sdelay $0x3  }
0x96: {  	_ =	strace s5  }
0x97: {  	s5 =	sld [smem:$0x3FFD];
	_ =	sdelay $0x3  }
0x98: {  	_ =	strace s5  }
0x99: {  	_ =	strace $0x8FFFFFFF  }
0x9a: {  	s20 =	sld [smem:$0x3FDB];
	_ =	sdelay $0x1  }
0x9b: {  	s6 =	simm.s32 $_scs_section_size  }
0x9c: {  	s7 =	simm.s32 $_size__tile_overlayer_lowered;
	s8 =	simm.s32 $_tile_overlayer_lowered  }
0x9d: {  	s23 =	simm.s32 $0x1BFF;
	s22 =	sshll.u32 s8, $0x1;
	s5 =	sadd.s32 s6, s20  }
0x9e: {  	s9 =	simm.s32 $0x0;
	s21 =	sshll.u32 s7, $0x1;
	s7 =	sadd.s32 s22, s5  }
0x9f: {  	[timem:s9], [sflag:s23] =	dma.local [hbm:s7], s21  }
0xa0: {  	_ =	swait.ge [sflag:s23], s21  }
0xa1: {  	s6 =	ssub.s32 $0x0, s21;
	[sflag:s23] =	ssyncset.done $0x0  }
0xa2: {  	[sflag:s23] =	ssyncadd.s32 s6;
	_ =	sdelay $0x1  }
0xa3: {  	s24 =	simm.s32 $0x1B8B  }
0xa4: {  	_ =	swait.ge [sflag:s24], $0x1  }
0xa5: {  	[sflag:s24] =	ssyncset.done $0x0  }
0xa6: {  	s25 =	simm.s32 $0x1B8E;
	[sflag:s24] =	ssyncadd.s32 $0xFFFFFFFF  }
0xa7: {  	s26 =	simm.s32 $execute0_lowered;
	[smem:$0x3FD2] =	sst s25  }
0xa8: {  	s6 =	sshll.u32 s26, $0x1;
	_ =	strace $0x80000046;
	[dreg:$0x1] =	wrdreg $0xFFFFFFFF  }
0xa9: {  	s28 =	simm.s32 $_size_execute0_lowered;
	s5 =	sadd.s32 s5, s6;
	[dreg:$0x0] =	wrdreg $0x0  }
0xaa: {  	s6 =	sshll.u32 s28, $0x1;
	[dreg:$0x2] =	wrdreg s5  }
0xab: {  	[dreg:$0x3] =	wrdreg s6  }
0xac: {  	[dreg:$0x4] =	wrdreg $0xC0  }
0xad: {  	_ =	task [dreg:s9], $0x5FFFF  }
0xae: {  	[dreg:$0x1] =	wrdreg $0xFFFFFFFF  }
0xaf: {  	[dreg:$0x0] =	wrdreg $0x60  }
0xb0: {  	[dreg:$0x2] =	wrdreg s2  }
0xb1: {  	[dreg:$0x3] =	wrdreg s19  }
0xb2: {  	[dreg:$0x4] =	wrdreg s4  }
0xb3: {  	[dreg:$0x5] =	wrdreg $0x9  }
0xb4: {  	_ =	task.clear_ibuf [dreg:s9], $0x6FFFF;
	_ =	strace $0x90000046  }
0xb5: {  	s29 =	simm.s32 $0x9;
	_ =	strace $0x80000048  }
0xb6: {  	_ =	swait.ge [sflag:s29], $0x1  }
0xb7: {  	[sflag:s29] =	ssyncadd.s32 $0xFFFFFFFF  }
0xb8: {  	_ =	strace $0x90000048  }
0xb9: {  	_ =	sfence  }
0xba: {  	s30 =	sld [smem:$0x0];
	_ =	sdelay $0x2  }
0xbb: {  	s31 =	sshll.u32 s1, $0xD;
	s1 =	sshrl.u32 s1, $0x2  }
0xbc: {  	s3 =	sand.u32 $0x4000, s31;
	s1 =	sadd.s32 s1, s30  }
0xbd: {  	s0 =	sor.u32 s3, s0;
	s1 =	sshll.u32 s1, $0x11  }
0xbe: {  	s0 =	sor.u32 s1, s0  }
0xbf: {  	s0 =	sadd.s32 $0x8F2B, s0  }
0xc0: {  	[sflag:s0] =	ssyncadd.remote.s32 $0x1  }
0xc1: {  	_ =	sfence.sel $0xFFFF  }
0xc2: {  	[dreg:$0x0] =	wrdreg $0xFFFFFFFF;
	(pc) =	sbr.abs _section_cstart, $3  }
0xc3: {  	[dreg:$0x1] =	wrdreg $0xFFFFFFFF  }
0xc4: {  	_ =	task.clear_ibuf [dreg:s9], $0x2FFFF;
	_ =	strace $0x9FFFFFFF  }
0xc5: {  	(tm) =	ssettm $0x7FFFFFFF  }
tec
execute0_lowered:
.L_overlay_start_1:
0x0: {  	(tag) =	ssettag $0x1  }
0x1: {  	s1 =	rddreg [dreg:$0x0]  }
0x2: {  	s2 =	rddreg [dreg:$0x1]  }
0x3: {  	s4 =	rddreg [dreg:$0x2];
	s0 =	srdreg.scid;
	s5 =	simm.s32 $0x0  }
0x4: {  	s6 =	stileid.u32;
	s15 =	simm.s32 $0x80;
	s16 =	simm.s32 $0x400  }
0x5: {  	s17 =	simm.s32 $0x2000;
	s18 =	simm.s32 $0x1000;
	s19 =	simm.s32 $0x1  }
0x6: {  	s20 =	simm.s32 $0x2;
	s21 =	simm.s32 $0x1A700;
	s22 =	simm.s32 $0x3  }
0x7: {  	s23 =	simm.s32 $0x1B700;
	s24 =	simm.s32 $0x4;
	s25 =	simm.s32 $0x5  }
0x8: {  	s26 =	simm.s32 $0x0;
	s0 =	sand.u32 $0x1, s0;
	s8 =	sshrl.u32 s6, $0x2  }
0x9: {  	s6 =	sshll.u32 s6, $0x8;
	[smem:$0x7FF] =	sst s5;
	s10 =	sadd.s32 $0x3000, s1  }
0xa: {  	s11 =	sadd.s32 $0x2000, s4;
	s12 =	sadd.s32 $0x3000, s4;
	s3 =	ssub.s32 $0x2, s0  }
0xb: {  	s0 =	sshll.u32 s0, $0x7;
	s6 =	sand.u32 $0x300, s6;
	s7 =	smul.u32 $0xC3800, s8  }
0xc: {  	_ =	strace $0x80000047;
	s13 =	sshll.u32 s8, $0x11;
	s9 =	sshrl.u32 s3, $0x1  }
0xd: {  	s8 =	sadd.s32 $0x2000, s1;
	s0 =	sor.u32 s0, s6;
	s3 =	ssub.s32 s3, s9  }
0xe: {  	s6 =	sor.u32 s0, s7;
	s7 =	sadd.s32 $0x1000, s1;
	s3 =	smax.u32 s3, $0x1  }
0xf: {  	s9 =	sadd.s32 $0x1000, s4;
	s14 =	sor.u32 s13, s0;
	[dreg:$0x4] =	wrdreg s3  }
.LBB2_1:
0x10: {  	s29 =	simm.s32 $0x0  }
.LBB2_2:
0x11: {  	s0 =	smul.u32 $0x30E000, s29;
	_ =	sdelay $0x1  }
0x12: {  	s0 =	sadd.s32 s6, s0  }
0x13: {  	s0 =	sshrl.u32 s0, $0x3  }
0x14: {  	s13 =	sshll.u32 s29, $0xB;
	s3 =	sshll.u32 s29, $0x4;
	s0 =	sadd.s32 s2, s0  }
0x15: {  	[tilespmem:s17], [sflag:$0x1] =	stream.strided.gather [hbm4b:s0+s15], $0x18700, s16, s15, $0x38;
	[tilespmem:$0x1C700] =	vst v63  }
0x16: {  	s3 =	sand.u32 $0x70, s3;
	s0 =	sand.u32 $0x4000, s13  }
0x17: {  	s30 =	sor.u32 s3, s0  }
0x18: {  	s0 =	sadd.s32 s1, s30  }
0x19: {  	[tilespmem:s5], [sflag:$0x2] =	stream.strided.gather [hbm4b:s0+s15], $0x1000, s16, s15, $0x38;
	[tilespmem:$0x1C700] =	vst v63  }
0x1a: {  	s31 =	sadd.s32 s30, s7  }
0x1b: {  	[tilespmem:s18], [sflag:$0x3] =	stream.strided.gather [hbm4b:s31+s15], $0x1000, s16, s15, $0x38;
	[tilespmem:$0x1C700] =	vst v63  }
0x1c: {  	_ =	swait.ge [sflag:s19], $0x18700  }
0x1d: {  	[sflag:s19] =	ssyncset.done $0x0  }
0x1e: {  	[sflag:s19] =	ssyncadd.s32 $0xFFFE7900  }
0x1f: {  	_ =	swait.ge [sflag:s20], $0x1000  }
0x20: {  	p0 =	seq.s32 s29, $0x0;
	[sflag:s20] =	ssyncset.done $0x0  }
0x21: {  	s0 =	simm.s32 @!p0 $0x4;
	[sflag:s20] =	ssyncadd.s32 $0xFFFFF000  }
0x22: {  	_ =	swait.ge @!p0 [sflag:s0], $0x1000  }
0x23: {  	[sflag:s0] =	ssyncset.done @!p0 $0x0  }
0x24: {  	s28 =	simm.s32 $0x0;
	[sflag:s0] =	ssyncadd.s32 @!p0 $0xFFFFF000  }
0x25: {  	v0 =	vld [tilespmem:s28+$0x0]  }
0x26: {  	v1 =	vld [tilespmem:s28+$0x70]  }
0x27: {  	v2 =	vld [tilespmem:s28+$0x10]  }
0x28: {  	v3 =	vld [tilespmem:s28+$0x20]  }
0x29: {  	v4 =	vld [tilespmem:s28+$0x30]  }
0x2a: {  	v7 =	vld [tilespmem:s28+$0x40]  }
0x2b: {  	v8 =	vld [tilespmem:s28+$0x50]  }
0x2c: {  	v9 =	vld [tilespmem:s28+$0x60]  }
0x2d: {  	v10 =	vld.idx.msk [tilespmem:v0+s17+$0x0], $0xffff  }
0x2e: {  	v0 =	vld.idx.msk [tilespmem:v1+s17+$0x0], $0xffff  }
0x2f: {  	v6 =	vld.idx.msk [tilespmem:v2+s17+$0x0], $0xffff  }
0x30: {  	v5 =	vld.idx.msk [tilespmem:v3+s17+$0x0], $0xffff  }
0x31: {  	v4 =	vld.idx.msk [tilespmem:v4+s17+$0x0], $0xffff  }
0x32: {  	v3 =	vld.idx.msk [tilespmem:v7+s17+$0x0], $0xffff  }
0x33: {  	v2 =	vld.idx.msk [tilespmem:v8+s17+$0x0], $0xffff  }
0x34: {  	s0 =	simm.s32 $0x80;
	v1 =	vld.idx.msk [tilespmem:v9+s17+$0x0], $0xffff;
	[tilespmem:s28+$0x1A770] =	vst v0  }
0x35: {  	s3 =	simm.s32 $0x400;
	v0 =	vld [tilespmem:s0+$0x0];
	[tilespmem:s28+$0x1A700] =	vst v10  }
.LBB2_3:
0x36: {  	p1 =	sne.s32 s3, $0x3E00;
	v7 =	vld [tilespmem:s0+$0x70];
	[tilespmem:s28+$0x1A710] =	vst v6  }
0x37: {  	v6 =	vld [tilespmem:s0+$0x10];
	[tilespmem:s28+$0x1A720] =	vst v5  }
0x38: {  	v5 =	vld [tilespmem:s0+$0x20];
	[tilespmem:s28+$0x1A730] =	vst v4  }
0x39: {  	v4 =	vld [tilespmem:s0+$0x30];
	[tilespmem:s28+$0x1A740] =	vst v3  }
0x3a: {  	v3 =	vld [tilespmem:s0+$0x40];
	[tilespmem:s28+$0x1A750] =	vst v2  }
0x3b: {  	v2 =	vld [tilespmem:s0+$0x50];
	[tilespmem:s28+$0x1A760] =	vst v1;
	s28 =	smov.u32 s0  }
0x3c: {  	v1 =	vld [tilespmem:s28+$0x60]  }
0x3d: {  	v8 =	vld.idx.msk [tilespmem:v0+s17+$0x0], $0xffff  }
0x3e: {  	v0 =	vld.idx.msk [tilespmem:v7+s17+$0x0], $0xffff  }
0x3f: {  	v6 =	vld.idx.msk [tilespmem:v6+s17+$0x0], $0xffff  }
0x40: {  	v5 =	vld.idx.msk [tilespmem:v5+s17+$0x0], $0xffff  }
.Ltmp0:
0x41: {  	v4 =	vld.idx.msk [tilespmem:v4+s17+$0x0], $0xffff;
	(pc) =	sbr.rel @p1 .LBB2_3-.Ltmp0, $4  }
0x42: {  	v3 =	vld.idx.msk [tilespmem:v3+s17+$0x0], $0xffff  }
0x43: {  	v2 =	vld.idx.msk [tilespmem:v2+s17+$0x0], $0xffff  }
0x44: {  	s0 =	sshra.s32 s3, $0x2;
	v1 =	vld.idx.msk [tilespmem:v1+s17+$0x0], $0xffff;
	[tilespmem:s28+$0x1A770] =	vst v0  }
0x45: {  	s3 =	sadd.s32 $0x200, s3;
	v0 =	vld [tilespmem:s0+$0x0];
	[tilespmem:s28+$0x1A700] =	vst v8  }
0x46: {  	_ = 	snop  }
0x47: {  	v7 =	vld [tilespmem:s0+$0x70];
	[tilespmem:s28+$0x1A710] =	vst v6  }
0x48: {  	v6 =	vld [tilespmem:s0+$0x10];
	[tilespmem:s28+$0x1A720] =	vst v5  }
0x49: {  	v5 =	vld [tilespmem:s0+$0x20];
	[tilespmem:s28+$0x1A730] =	vst v4  }
0x4a: {  	v4 =	vld [tilespmem:s0+$0x30];
	[tilespmem:s28+$0x1A740] =	vst v3  }
0x4b: {  	v3 =	vld [tilespmem:s0+$0x40];
	[tilespmem:s28+$0x1A750] =	vst v2  }
0x4c: {  	v2 =	vld [tilespmem:s0+$0x50];
	[tilespmem:s28+$0x1A760] =	vst v1  }
0x4d: {  	v1 =	vld [tilespmem:s0+$0x60]  }
0x4e: {  	v0 =	vld.idx.msk [tilespmem:v0+s17+$0x0], $0xffff  }
0x4f: {  	v7 =	vld.idx.msk [tilespmem:v7+s17+$0x0], $0xffff  }
0x50: {  	v6 =	vld.idx.msk [tilespmem:v6+s17+$0x0], $0xffff  }
0x51: {  	v5 =	vld.idx.msk [tilespmem:v5+s17+$0x0], $0xffff  }
0x52: {  	v4 =	vld.idx.msk [tilespmem:v4+s17+$0x0], $0xffff  }
0x53: {  	v3 =	vld.idx.msk [tilespmem:v3+s17+$0x0], $0xffff  }
0x54: {  	v2 =	vld.idx.msk [tilespmem:v2+s17+$0x0], $0xffff  }
0x55: {  	v1 =	vld.idx.msk [tilespmem:v1+s17+$0x0], $0xffff;
	[tilespmem:s0+$0x1A770] =	vst v7  }
0x56: {  	[tilespmem:s0+$0x1A700] =	vst v0  }
0x57: {  	[tilespmem:s0+$0x1A710] =	vst v6  }
0x58: {  	[tilespmem:s0+$0x1A720] =	vst v5  }
0x59: {  	s3 =	sshll.u32 s29, $0x13;
	[tilespmem:s0+$0x1A730] =	vst v4  }
0x5a: {  	s3 =	sor.u32 s14, s3;
	[tilespmem:s0+$0x1A740] =	vst v3  }
0x5b: {  	s28 =	sshrl.u32 s3, $0x3;
	[tilespmem:s0+$0x1A750] =	vst v2  }
0x5c: {  	s3 =	sadd.s32 s4, s28;
	[tilespmem:s0+$0x1A760] =	vst v1  }
0x5d: {  	[hbm4b:s3+s15] =	stream.strided.scatter [tilespmem:s21], [sflag:$0x4], $0x1000, s16, s15, $0x38;
	[tilespmem:$0x1C700] =	vst v63  }
0x5e: {  	s13 =	sadd.s32 s30, s8  }
0x5f: {  	[tilespmem:s5], [sflag:$0x2] =	stream.strided.gather [hbm4b:s13+s15], $0x1000, s16, s15, $0x38;
	[tilespmem:$0x1C700] =	vst v63  }
0x60: {  	_ =	swait.ge [sflag:s22], $0x1000  }
0x61: {  	[sflag:s22] =	ssyncset.done $0x0  }
0x62: {  	s0 =	simm.s32 @!p0 $0x5;
	[sflag:s22] =	ssyncadd.s32 $0xFFFFF000  }
0x63: {  	_ =	swait.ge @!p0 [sflag:s0], $0x1000  }
0x64: {  	[sflag:s0] =	ssyncset.done @!p0 $0x0  }
0x65: {  	s31 =	simm.s32 $0x0;
	[sflag:s0] =	ssyncadd.s32 @!p0 $0xFFFFF000  }
0x66: {  	v0 =	vld [tilespmem:s31+$0x1000]  }
0x67: {  	v1 =	vld [tilespmem:s31+$0x1070]  }
0x68: {  	v2 =	vld [tilespmem:s31+$0x1010]  }
0x69: {  	v3 =	vld [tilespmem:s31+$0x1020]  }
0x6a: {  	v4 =	vld [tilespmem:s31+$0x1030]  }
0x6b: {  	v7 =	vld [tilespmem:s31+$0x1040]  }
0x6c: {  	v8 =	vld [tilespmem:s31+$0x1050]  }
0x6d: {  	v9 =	vld [tilespmem:s31+$0x1060]  }
0x6e: {  	v10 =	vld.idx.msk [tilespmem:v0+s17+$0x0], $0xffff  }
0x6f: {  	v0 =	vld.idx.msk [tilespmem:v1+s17+$0x0], $0xffff  }
0x70: {  	v6 =	vld.idx.msk [tilespmem:v2+s17+$0x0], $0xffff  }
0x71: {  	v5 =	vld.idx.msk [tilespmem:v3+s17+$0x0], $0xffff  }
0x72: {  	v4 =	vld.idx.msk [tilespmem:v4+s17+$0x0], $0xffff  }
0x73: {  	v3 =	vld.idx.msk [tilespmem:v7+s17+$0x0], $0xffff  }
0x74: {  	v2 =	vld.idx.msk [tilespmem:v8+s17+$0x0], $0xffff  }
0x75: {  	s0 =	simm.s32 $0x80;
	v1 =	vld.idx.msk [tilespmem:v9+s17+$0x0], $0xffff;
	[tilespmem:s31+$0x1B770] =	vst v0  }
0x76: {  	s3 =	simm.s32 $0x400;
	v0 =	vld [tilespmem:s0+$0x1000];
	[tilespmem:s31+$0x1B700] =	vst v10  }
.LBB2_5:
0x77: {  	p0 =	sne.s32 s3, $0x3E00;
	v7 =	vld [tilespmem:s0+$0x1070];
	[tilespmem:s31+$0x1B710] =	vst v6  }
0x78: {  	v6 =	vld [tilespmem:s0+$0x1010];
	[tilespmem:s31+$0x1B720] =	vst v5  }
0x79: {  	v5 =	vld [tilespmem:s0+$0x1020];
	[tilespmem:s31+$0x1B730] =	vst v4  }
0x7a: {  	v4 =	vld [tilespmem:s0+$0x1030];
	[tilespmem:s31+$0x1B740] =	vst v3  }
0x7b: {  	v3 =	vld [tilespmem:s0+$0x1040];
	[tilespmem:s31+$0x1B750] =	vst v2  }
0x7c: {  	v2 =	vld [tilespmem:s0+$0x1050];
	[tilespmem:s31+$0x1B760] =	vst v1;
	s31 =	smov.u32 s0  }
0x7d: {  	v1 =	vld [tilespmem:s31+$0x1060]  }
0x7e: {  	v8 =	vld.idx.msk [tilespmem:v0+s17+$0x0], $0xffff  }
0x7f: {  	v0 =	vld.idx.msk [tilespmem:v7+s17+$0x0], $0xffff  }
0x80: {  	v6 =	vld.idx.msk [tilespmem:v6+s17+$0x0], $0xffff  }
0x81: {  	v5 =	vld.idx.msk [tilespmem:v5+s17+$0x0], $0xffff  }
.Ltmp1:
0x82: {  	v4 =	vld.idx.msk [tilespmem:v4+s17+$0x0], $0xffff;
	(pc) =	sbr.rel @p0 .LBB2_5-.Ltmp1, $4  }
0x83: {  	v3 =	vld.idx.msk [tilespmem:v3+s17+$0x0], $0xffff  }
0x84: {  	v2 =	vld.idx.msk [tilespmem:v2+s17+$0x0], $0xffff  }
0x85: {  	s0 =	sshra.s32 s3, $0x2;
	v1 =	vld.idx.msk [tilespmem:v1+s17+$0x0], $0xffff;
	[tilespmem:s31+$0x1B770] =	vst v0  }
0x86: {  	s3 =	sadd.s32 $0x200, s3;
	v0 =	vld [tilespmem:s0+$0x1000];
	[tilespmem:s31+$0x1B700] =	vst v8  }
0x87: {  	_ = 	snop  }
0x88: {  	v7 =	vld [tilespmem:s0+$0x1070];
	[tilespmem:s31+$0x1B710] =	vst v6  }
0x89: {  	v6 =	vld [tilespmem:s0+$0x1010];
	[tilespmem:s31+$0x1B720] =	vst v5  }
0x8a: {  	v5 =	vld [tilespmem:s0+$0x1020];
	[tilespmem:s31+$0x1B730] =	vst v4  }
0x8b: {  	v4 =	vld [tilespmem:s0+$0x1030];
	[tilespmem:s31+$0x1B740] =	vst v3  }
0x8c: {  	v3 =	vld [tilespmem:s0+$0x1040];
	[tilespmem:s31+$0x1B750] =	vst v2  }
0x8d: {  	v2 =	vld [tilespmem:s0+$0x1050];
	[tilespmem:s31+$0x1B760] =	vst v1  }
0x8e: {  	v1 =	vld [tilespmem:s0+$0x1060]  }
0x8f: {  	v0 =	vld.idx.msk [tilespmem:v0+s17+$0x0], $0xffff  }
0x90: {  	v7 =	vld.idx.msk [tilespmem:v7+s17+$0x0], $0xffff  }
0x91: {  	v6 =	vld.idx.msk [tilespmem:v6+s17+$0x0], $0xffff  }
0x92: {  	v5 =	vld.idx.msk [tilespmem:v5+s17+$0x0], $0xffff  }
0x93: {  	v4 =	vld.idx.msk [tilespmem:v4+s17+$0x0], $0xffff  }
0x94: {  	v3 =	vld.idx.msk [tilespmem:v3+s17+$0x0], $0xffff  }
0x95: {  	v2 =	vld.idx.msk [tilespmem:v2+s17+$0x0], $0xffff  }
0x96: {  	v1 =	vld.idx.msk [tilespmem:v1+s17+$0x0], $0xffff;
	[tilespmem:s0+$0x1B770] =	vst v7  }
0x97: {  	[tilespmem:s0+$0x1B700] =	vst v0  }
0x98: {  	[tilespmem:s0+$0x1B710] =	vst v6  }
0x99: {  	[tilespmem:s0+$0x1B720] =	vst v5  }
0x9a: {  	[tilespmem:s0+$0x1B730] =	vst v4  }
0x9b: {  	[tilespmem:s0+$0x1B740] =	vst v3  }
0x9c: {  	[tilespmem:s0+$0x1B750] =	vst v2  }
0x9d: {  	s13 =	sadd.s32 s28, s9;
	[tilespmem:s0+$0x1B760] =	vst v1  }
0x9e: {  	[hbm4b:s13+s15] =	stream.strided.scatter [tilespmem:s23], [sflag:$0x5], $0x1000, s16, s15, $0x38;
	[tilespmem:$0x1C700] =	vst v63  }
0x9f: {  	s31 =	sadd.s32 s30, s10  }
0xa0: {  	[tilespmem:s18], [sflag:$0x3] =	stream.strided.gather [hbm4b:s31+s15], $0x1000, s16, s15, $0x38;
	[tilespmem:$0x1C700] =	vst v63  }
0xa1: {  	_ =	swait.ge [sflag:s20], $0x1000  }
0xa2: {  	[sflag:s20] =	ssyncset.done $0x0  }
0xa3: {  	[sflag:s20] =	ssyncadd.s32 $0xFFFFF000  }
0xa4: {  	_ =	swait.ge [sflag:s24], $0x1000  }
0xa5: {  	[sflag:s24] =	ssyncset.done $0x0  }
0xa6: {  	s30 =	simm.s32 $0x0;
	[sflag:s24] =	ssyncadd.s32 $0xFFFFF000  }
0xa7: {  	v0 =	vld [tilespmem:s30+$0x0]  }
0xa8: {  	v1 =	vld [tilespmem:s30+$0x70]  }
0xa9: {  	v2 =	vld [tilespmem:s30+$0x10]  }
0xaa: {  	v3 =	vld [tilespmem:s30+$0x20]  }
0xab: {  	v4 =	vld [tilespmem:s30+$0x30]  }
0xac: {  	v7 =	vld [tilespmem:s30+$0x40]  }
0xad: {  	v8 =	vld [tilespmem:s30+$0x50]  }
0xae: {  	v9 =	vld [tilespmem:s30+$0x60]  }
0xaf: {  	v10 =	vld.idx.msk [tilespmem:v0+s17+$0x0], $0xffff  }
0xb0: {  	v0 =	vld.idx.msk [tilespmem:v1+s17+$0x0], $0xffff  }
0xb1: {  	v6 =	vld.idx.msk [tilespmem:v2+s17+$0x0], $0xffff  }
0xb2: {  	v5 =	vld.idx.msk [tilespmem:v3+s17+$0x0], $0xffff  }
0xb3: {  	v4 =	vld.idx.msk [tilespmem:v4+s17+$0x0], $0xffff  }
0xb4: {  	v3 =	vld.idx.msk [tilespmem:v7+s17+$0x0], $0xffff  }
0xb5: {  	v2 =	vld.idx.msk [tilespmem:v8+s17+$0x0], $0xffff  }
0xb6: {  	s0 =	simm.s32 $0x80;
	v1 =	vld.idx.msk [tilespmem:v9+s17+$0x0], $0xffff;
	[tilespmem:s30+$0x1A770] =	vst v0  }
0xb7: {  	s3 =	simm.s32 $0x400;
	v0 =	vld [tilespmem:s0+$0x0];
	[tilespmem:s30+$0x1A700] =	vst v10  }
.LBB2_7:
0xb8: {  	p0 =	sne.s32 s3, $0x3E00;
	v7 =	vld [tilespmem:s0+$0x70];
	[tilespmem:s30+$0x1A710] =	vst v6  }
0xb9: {  	v6 =	vld [tilespmem:s0+$0x10];
	[tilespmem:s30+$0x1A720] =	vst v5  }
0xba: {  	v5 =	vld [tilespmem:s0+$0x20];
	[tilespmem:s30+$0x1A730] =	vst v4  }
0xbb: {  	v4 =	vld [tilespmem:s0+$0x30];
	[tilespmem:s30+$0x1A740] =	vst v3  }
0xbc: {  	v3 =	vld [tilespmem:s0+$0x40];
	[tilespmem:s30+$0x1A750] =	vst v2  }
0xbd: {  	v2 =	vld [tilespmem:s0+$0x50];
	[tilespmem:s30+$0x1A760] =	vst v1;
	s30 =	smov.u32 s0  }
0xbe: {  	v1 =	vld [tilespmem:s30+$0x60]  }
0xbf: {  	v8 =	vld.idx.msk [tilespmem:v0+s17+$0x0], $0xffff  }
0xc0: {  	v0 =	vld.idx.msk [tilespmem:v7+s17+$0x0], $0xffff  }
0xc1: {  	v6 =	vld.idx.msk [tilespmem:v6+s17+$0x0], $0xffff  }
0xc2: {  	v5 =	vld.idx.msk [tilespmem:v5+s17+$0x0], $0xffff  }
.Ltmp2:
0xc3: {  	v4 =	vld.idx.msk [tilespmem:v4+s17+$0x0], $0xffff;
	(pc) =	sbr.rel @p0 .LBB2_7-.Ltmp2, $4  }
0xc4: {  	v3 =	vld.idx.msk [tilespmem:v3+s17+$0x0], $0xffff  }
0xc5: {  	v2 =	vld.idx.msk [tilespmem:v2+s17+$0x0], $0xffff  }
0xc6: {  	s0 =	sshra.s32 s3, $0x2;
	v1 =	vld.idx.msk [tilespmem:v1+s17+$0x0], $0xffff;
	[tilespmem:s30+$0x1A770] =	vst v0  }
0xc7: {  	s3 =	sadd.s32 $0x200, s3;
	v0 =	vld [tilespmem:s0+$0x0];
	[tilespmem:s30+$0x1A700] =	vst v8  }
0xc8: {  	_ = 	snop  }
0xc9: {  	v7 =	vld [tilespmem:s0+$0x70];
	[tilespmem:s30+$0x1A710] =	vst v6  }
0xca: {  	v6 =	vld [tilespmem:s0+$0x10];
	[tilespmem:s30+$0x1A720] =	vst v5  }
0xcb: {  	v5 =	vld [tilespmem:s0+$0x20];
	[tilespmem:s30+$0x1A730] =	vst v4  }
0xcc: {  	v4 =	vld [tilespmem:s0+$0x30];
	[tilespmem:s30+$0x1A740] =	vst v3  }
0xcd: {  	v3 =	vld [tilespmem:s0+$0x40];
	[tilespmem:s30+$0x1A750] =	vst v2  }
0xce: {  	v2 =	vld [tilespmem:s0+$0x50];
	[tilespmem:s30+$0x1A760] =	vst v1  }
0xcf: {  	v1 =	vld [tilespmem:s0+$0x60]  }
0xd0: {  	v0 =	vld.idx.msk [tilespmem:v0+s17+$0x0], $0xffff  }
0xd1: {  	v7 =	vld.idx.msk [tilespmem:v7+s17+$0x0], $0xffff  }
0xd2: {  	v6 =	vld.idx.msk [tilespmem:v6+s17+$0x0], $0xffff  }
0xd3: {  	v5 =	vld.idx.msk [tilespmem:v5+s17+$0x0], $0xffff  }
0xd4: {  	v4 =	vld.idx.msk [tilespmem:v4+s17+$0x0], $0xffff  }
0xd5: {  	v3 =	vld.idx.msk [tilespmem:v3+s17+$0x0], $0xffff  }
0xd6: {  	v2 =	vld.idx.msk [tilespmem:v2+s17+$0x0], $0xffff  }
0xd7: {  	v1 =	vld.idx.msk [tilespmem:v1+s17+$0x0], $0xffff;
	[tilespmem:s0+$0x1A770] =	vst v7  }
0xd8: {  	[tilespmem:s0+$0x1A700] =	vst v0  }
0xd9: {  	[tilespmem:s0+$0x1A710] =	vst v6  }
0xda: {  	[tilespmem:s0+$0x1A720] =	vst v5  }
0xdb: {  	[tilespmem:s0+$0x1A730] =	vst v4  }
0xdc: {  	[tilespmem:s0+$0x1A740] =	vst v3  }
0xdd: {  	[tilespmem:s0+$0x1A750] =	vst v2  }
0xde: {  	s31 =	sadd.s32 s28, s11;
	[tilespmem:s0+$0x1A760] =	vst v1  }
0xdf: {  	[hbm4b:s31+s15] =	stream.strided.scatter [tilespmem:s21], [sflag:$0x4], $0x1000, s16, s15, $0x38;
	[tilespmem:$0x1C700] =	vst v63  }
0xe0: {  	_ =	swait.ge [sflag:s22], $0x1000  }
0xe1: {  	[sflag:s22] =	ssyncset.done $0x0  }
0xe2: {  	[sflag:s22] =	ssyncadd.s32 $0xFFFFF000  }
0xe3: {  	_ =	swait.ge [sflag:s25], $0x1000  }
0xe4: {  	[sflag:s25] =	ssyncset.done $0x0  }
0xe5: {  	s30 =	simm.s32 $0x0;
	[sflag:s25] =	ssyncadd.s32 $0xFFFFF000  }
0xe6: {  	v0 =	vld [tilespmem:s30+$0x1000]  }
0xe7: {  	v1 =	vld [tilespmem:s30+$0x1070]  }
0xe8: {  	v2 =	vld [tilespmem:s30+$0x1010]  }
0xe9: {  	v3 =	vld [tilespmem:s30+$0x1020]  }
0xea: {  	v4 =	vld [tilespmem:s30+$0x1030]  }
0xeb: {  	v7 =	vld [tilespmem:s30+$0x1040]  }
0xec: {  	v8 =	vld [tilespmem:s30+$0x1050]  }
0xed: {  	v9 =	vld [tilespmem:s30+$0x1060]  }
0xee: {  	v10 =	vld.idx.msk [tilespmem:v0+s17+$0x0], $0xffff  }
0xef: {  	v0 =	vld.idx.msk [tilespmem:v1+s17+$0x0], $0xffff  }
0xf0: {  	v6 =	vld.idx.msk [tilespmem:v2+s17+$0x0], $0xffff  }
0xf1: {  	v5 =	vld.idx.msk [tilespmem:v3+s17+$0x0], $0xffff  }
0xf2: {  	v4 =	vld.idx.msk [tilespmem:v4+s17+$0x0], $0xffff  }
0xf3: {  	v3 =	vld.idx.msk [tilespmem:v7+s17+$0x0], $0xffff  }
0xf4: {  	v2 =	vld.idx.msk [tilespmem:v8+s17+$0x0], $0xffff  }
0xf5: {  	s0 =	simm.s32 $0x80;
	v1 =	vld.idx.msk [tilespmem:v9+s17+$0x0], $0xffff;
	[tilespmem:s30+$0x1B770] =	vst v0  }
0xf6: {  	s3 =	simm.s32 $0x400;
	v0 =	vld [tilespmem:s0+$0x1000];
	[tilespmem:s30+$0x1B700] =	vst v10  }
.LBB2_9:
0xf7: {  	p0 =	sne.s32 s3, $0x3E00;
	v7 =	vld [tilespmem:s0+$0x1070];
	[tilespmem:s30+$0x1B710] =	vst v6  }
0xf8: {  	v6 =	vld [tilespmem:s0+$0x1010];
	[tilespmem:s30+$0x1B720] =	vst v5  }
0xf9: {  	v5 =	vld [tilespmem:s0+$0x1020];
	[tilespmem:s30+$0x1B730] =	vst v4  }
0xfa: {  	v4 =	vld [tilespmem:s0+$0x1030];
	[tilespmem:s30+$0x1B740] =	vst v3  }
0xfb: {  	v3 =	vld [tilespmem:s0+$0x1040];
	[tilespmem:s30+$0x1B750] =	vst v2  }
0xfc: {  	v2 =	vld [tilespmem:s0+$0x1050];
	[tilespmem:s30+$0x1B760] =	vst v1;
	s30 =	smov.u32 s0  }
0xfd: {  	v1 =	vld [tilespmem:s30+$0x1060]  }
0xfe: {  	v8 =	vld.idx.msk [tilespmem:v0+s17+$0x0], $0xffff  }
0xff: {  	v0 =	vld.idx.msk [tilespmem:v7+s17+$0x0], $0xffff  }
0x100: {  	v6 =	vld.idx.msk [tilespmem:v6+s17+$0x0], $0xffff  }
0x101: {  	v5 =	vld.idx.msk [tilespmem:v5+s17+$0x0], $0xffff  }
.Ltmp3:
0x102: {  	v4 =	vld.idx.msk [tilespmem:v4+s17+$0x0], $0xffff;
	(pc) =	sbr.rel @p0 .LBB2_9-.Ltmp3, $4  }
0x103: {  	v3 =	vld.idx.msk [tilespmem:v3+s17+$0x0], $0xffff  }
0x104: {  	v2 =	vld.idx.msk [tilespmem:v2+s17+$0x0], $0xffff  }
0x105: {  	s0 =	sshra.s32 s3, $0x2;
	v1 =	vld.idx.msk [tilespmem:v1+s17+$0x0], $0xffff;
	[tilespmem:s30+$0x1B770] =	vst v0  }
0x106: {  	s3 =	sadd.s32 $0x200, s3;
	v0 =	vld [tilespmem:s0+$0x1000];
	[tilespmem:s30+$0x1B700] =	vst v8  }
0x107: {  	_ = 	snop  }
0x108: {  	v7 =	vld [tilespmem:s0+$0x1070];
	[tilespmem:s30+$0x1B710] =	vst v6  }
0x109: {  	v6 =	vld [tilespmem:s0+$0x1010];
	[tilespmem:s30+$0x1B720] =	vst v5  }
0x10a: {  	v5 =	vld [tilespmem:s0+$0x1020];
	[tilespmem:s30+$0x1B730] =	vst v4  }
0x10b: {  	v4 =	vld [tilespmem:s0+$0x1030];
	[tilespmem:s30+$0x1B740] =	vst v3  }
0x10c: {  	v3 =	vld [tilespmem:s0+$0x1040];
	[tilespmem:s30+$0x1B750] =	vst v2  }
0x10d: {  	v2 =	vld [tilespmem:s0+$0x1050];
	[tilespmem:s30+$0x1B760] =	vst v1  }
0x10e: {  	v1 =	vld [tilespmem:s0+$0x1060]  }
0x10f: {  	v0 =	vld.idx.msk [tilespmem:v0+s17+$0x0], $0xffff  }
0x110: {  	v7 =	vld.idx.msk [tilespmem:v7+s17+$0x0], $0xffff  }
0x111: {  	v6 =	vld.idx.msk [tilespmem:v6+s17+$0x0], $0xffff  }
0x112: {  	v5 =	vld.idx.msk [tilespmem:v5+s17+$0x0], $0xffff  }
0x113: {  	v4 =	vld.idx.msk [tilespmem:v4+s17+$0x0], $0xffff  }
0x114: {  	v3 =	vld.idx.msk [tilespmem:v3+s17+$0x0], $0xffff  }
0x115: {  	v2 =	vld.idx.msk [tilespmem:v2+s17+$0x0], $0xffff  }
0x116: {  	v1 =	vld.idx.msk [tilespmem:v1+s17+$0x0], $0xffff;
	[tilespmem:s0+$0x1B770] =	vst v7  }
0x117: {  	[tilespmem:s0+$0x1B700] =	vst v0  }
0x118: {  	s29 =	sadd.s32 $0x1, s29;
	[tilespmem:s0+$0x1B710] =	vst v6  }
0x119: {  	p0 =	sne.s32 s29, $0xD;
	[tilespmem:s0+$0x1B720] =	vst v5  }
.Ltmp4:
0x11a: {  	[tilespmem:s0+$0x1B730] =	vst v4;
	(pc) =	sbr.rel @p0 .LBB2_2-.Ltmp4, $4  }
0x11b: {  	[tilespmem:s0+$0x1B740] =	vst v3  }
0x11c: {  	[tilespmem:s0+$0x1B750] =	vst v2  }
0x11d: {  	s31 =	sadd.s32 s28, s12;
	s28 =	simm.s32 $0x0;
	[tilespmem:s0+$0x1B760] =	vst v1  }
0x11e: {  	[hbm4b:s31+s15] =	stream.strided.scatter [tilespmem:s23], [sflag:$0x5], $0x1000, s16, s15, $0x38;
	[tilespmem:$0x1C700] =	vst v63  }
0x11f: {  	s29 =	simm.s32 $0x0  }
.LBB2_12:
0x120: {  	s30 =	sadd.s32 $0xD, s29  }
0x121: {  	s0 =	smul.u32 $0x30E000, s30;
	_ =	sdelay $0x1  }
0x122: {  	s0 =	sadd.s32 s6, s0  }
0x123: {  	s0 =	sshrl.u32 s0, $0x3  }
0x124: {  	s13 =	sshll.u32 s30, $0xB;
	s3 =	sshll.u32 s30, $0x4;
	s0 =	sadd.s32 s2, s0  }
0x125: {  	[tilespmem:s17], [sflag:$0x1] =	stream.strided.gather [hbm4b:s0+s15], $0x18700, s16, s15, $0x38;
	[tilespmem:$0x1C700] =	vst v63  }
0x126: {  	s3 =	sand.u32 $0x70, s3;
	s0 =	sand.u32 $0xC000, s13  }
0x127: {  	s31 =	sor.u32 s3, s0  }
0x128: {  	s0 =	sadd.s32 s1, s31  }
0x129: {  	[tilespmem:s28], [sflag:$0x2] =	stream.strided.gather [hbm4b:s0+s15], $0x1000, s16, s15, $0x38;
	[tilespmem:$0x1C700] =	vst v63  }
0x12a: {  	s13 =	sadd.s32 s31, s7  }
0x12b: {  	[tilespmem:s18], [sflag:$0x3] =	stream.strided.gather [hbm4b:s13+s15], $0x1000, s16, s15, $0x38;
	[tilespmem:$0x1C700] =	vst v63  }
0x12c: {  	_ =	swait.ge [sflag:s19], $0x18700  }
0x12d: {  	[sflag:s19] =	ssyncset.done $0x0  }
0x12e: {  	[sflag:s19] =	ssyncadd.s32 $0xFFFE7900  }
0x12f: {  	_ =	swait.ge [sflag:s20], $0x1000  }
0x130: {  	[sflag:s20] =	ssyncset.done $0x0  }
0x131: {  	[sflag:s20] =	ssyncadd.s32 $0xFFFFF000  }
0x132: {  	_ =	swait.ge [sflag:s24], $0x1000  }
0x133: {  	[sflag:s24] =	ssyncset.done $0x0  }
0x134: {  	s0 =	simm.s32 $0x0;
	[sflag:s24] =	ssyncadd.s32 $0xFFFFF000  }
0x135: {  	v0 =	vld [tilespmem:s0+$0x0]  }
0x136: {  	v1 =	vld [tilespmem:s0+$0x70]  }
0x137: {  	v2 =	vld [tilespmem:s0+$0x10]  }
0x138: {  	v3 =	vld [tilespmem:s0+$0x20]  }
0x139: {  	v4 =	vld [tilespmem:s0+$0x30]  }
0x13a: {  	v7 =	vld [tilespmem:s0+$0x40]  }
0x13b: {  	v8 =	vld [tilespmem:s0+$0x50]  }
0x13c: {  	v9 =	vld [tilespmem:s0+$0x60]  }
0x13d: {  	v10 =	vld.idx.msk [tilespmem:v0+s17+$0x0], $0xffff  }
0x13e: {  	v0 =	vld.idx.msk [tilespmem:v1+s17+$0x0], $0xffff  }
0x13f: {  	v6 =	vld.idx.msk [tilespmem:v2+s17+$0x0], $0xffff  }
0x140: {  	v5 =	vld.idx.msk [tilespmem:v3+s17+$0x0], $0xffff  }
0x141: {  	v4 =	vld.idx.msk [tilespmem:v4+s17+$0x0], $0xffff  }
0x142: {  	v3 =	vld.idx.msk [tilespmem:v7+s17+$0x0], $0xffff  }
0x143: {  	v2 =	vld.idx.msk [tilespmem:v8+s17+$0x0], $0xffff  }
0x144: {  	s3 =	simm.s32 $0x80;
	v1 =	vld.idx.msk [tilespmem:v9+s17+$0x0], $0xffff;
	[tilespmem:s0+$0x1A770] =	vst v0  }
0x145: {  	s13 =	simm.s32 $0x400;
	v0 =	vld [tilespmem:s3+$0x0];
	[tilespmem:s0+$0x1A700] =	vst v10  }
.LBB2_13:
0x146: {  	p0 =	sne.s32 s13, $0x3E00;
	v7 =	vld [tilespmem:s3+$0x70];
	[tilespmem:s0+$0x1A710] =	vst v6  }
0x147: {  	v6 =	vld [tilespmem:s3+$0x10];
	[tilespmem:s0+$0x1A720] =	vst v5  }
0x148: {  	v5 =	vld [tilespmem:s3+$0x20];
	[tilespmem:s0+$0x1A730] =	vst v4  }
0x149: {  	v4 =	vld [tilespmem:s3+$0x30];
	[tilespmem:s0+$0x1A740] =	vst v3  }
0x14a: {  	v3 =	vld [tilespmem:s3+$0x40];
	[tilespmem:s0+$0x1A750] =	vst v2  }
0x14b: {  	v2 =	vld [tilespmem:s3+$0x50];
	[tilespmem:s0+$0x1A760] =	vst v1;
	s0 =	smov.u32 s3  }
0x14c: {  	v1 =	vld [tilespmem:s0+$0x60]  }
0x14d: {  	v8 =	vld.idx.msk [tilespmem:v0+s17+$0x0], $0xffff  }
0x14e: {  	v0 =	vld.idx.msk [tilespmem:v7+s17+$0x0], $0xffff  }
0x14f: {  	v6 =	vld.idx.msk [tilespmem:v6+s17+$0x0], $0xffff  }
0x150: {  	v5 =	vld.idx.msk [tilespmem:v5+s17+$0x0], $0xffff  }
.Ltmp5:
0x151: {  	v4 =	vld.idx.msk [tilespmem:v4+s17+$0x0], $0xffff;
	(pc) =	sbr.rel @p0 .LBB2_13-.Ltmp5, $4  }
0x152: {  	v3 =	vld.idx.msk [tilespmem:v3+s17+$0x0], $0xffff  }
0x153: {  	v2 =	vld.idx.msk [tilespmem:v2+s17+$0x0], $0xffff  }
0x154: {  	s3 =	sshra.s32 s13, $0x2;
	v1 =	vld.idx.msk [tilespmem:v1+s17+$0x0], $0xffff;
	[tilespmem:s0+$0x1A770] =	vst v0  }
0x155: {  	s13 =	sadd.s32 $0x200, s13;
	v0 =	vld [tilespmem:s3+$0x0];
	[tilespmem:s0+$0x1A700] =	vst v8  }
0x156: {  	_ = 	snop  }
0x157: {  	v7 =	vld [tilespmem:s3+$0x70];
	[tilespmem:s0+$0x1A710] =	vst v6  }
0x158: {  	v6 =	vld [tilespmem:s3+$0x10];
	[tilespmem:s0+$0x1A720] =	vst v5  }
0x159: {  	v5 =	vld [tilespmem:s3+$0x20];
	[tilespmem:s0+$0x1A730] =	vst v4  }
0x15a: {  	v4 =	vld [tilespmem:s3+$0x30];
	[tilespmem:s0+$0x1A740] =	vst v3  }
0x15b: {  	v3 =	vld [tilespmem:s3+$0x40];
	[tilespmem:s0+$0x1A750] =	vst v2  }
0x15c: {  	v2 =	vld [tilespmem:s3+$0x50];
	[tilespmem:s0+$0x1A760] =	vst v1  }
0x15d: {  	v1 =	vld [tilespmem:s3+$0x60]  }
0x15e: {  	v0 =	vld.idx.msk [tilespmem:v0+s17+$0x0], $0xffff  }
0x15f: {  	v7 =	vld.idx.msk [tilespmem:v7+s17+$0x0], $0xffff  }
0x160: {  	v6 =	vld.idx.msk [tilespmem:v6+s17+$0x0], $0xffff  }
0x161: {  	v5 =	vld.idx.msk [tilespmem:v5+s17+$0x0], $0xffff  }
0x162: {  	v4 =	vld.idx.msk [tilespmem:v4+s17+$0x0], $0xffff  }
0x163: {  	v3 =	vld.idx.msk [tilespmem:v3+s17+$0x0], $0xffff  }
0x164: {  	v2 =	vld.idx.msk [tilespmem:v2+s17+$0x0], $0xffff  }
0x165: {  	v1 =	vld.idx.msk [tilespmem:v1+s17+$0x0], $0xffff;
	[tilespmem:s3+$0x1A770] =	vst v7  }
0x166: {  	[tilespmem:s3+$0x1A700] =	vst v0  }
0x167: {  	[tilespmem:s3+$0x1A710] =	vst v6  }
0x168: {  	[tilespmem:s3+$0x1A720] =	vst v5  }
0x169: {  	s13 =	sshll.u32 s30, $0x13;
	[tilespmem:s3+$0x1A730] =	vst v4  }
0x16a: {  	s0 =	sor.u32 s14, s13;
	[tilespmem:s3+$0x1A740] =	vst v3  }
0x16b: {  	s30 =	sshrl.u32 s0, $0x3;
	[tilespmem:s3+$0x1A750] =	vst v2  }
0x16c: {  	s0 =	sadd.s32 s4, s30;
	[tilespmem:s3+$0x1A760] =	vst v1  }
0x16d: {  	[hbm4b:s0+s15] =	stream.strided.scatter [tilespmem:s21], [sflag:$0x4], $0x1000, s16, s15, $0x38;
	[tilespmem:$0x1C700] =	vst v63  }
0x16e: {  	s13 =	simm.s32 $0x0;
	s3 =	sadd.s32 s31, s8  }
0x16f: {  	[tilespmem:s13], [sflag:$0x2] =	stream.strided.gather [hbm4b:s3+s15], $0x1000, s16, s15, $0x38;
	[tilespmem:$0x1C700] =	vst v63  }
0x170: {  	_ =	swait.ge [sflag:s22], $0x1000  }
0x171: {  	[sflag:s22] =	ssyncset.done $0x0  }
0x172: {  	[sflag:s22] =	ssyncadd.s32 $0xFFFFF000  }
0x173: {  	_ =	swait.ge [sflag:s25], $0x1000  }
0x174: {  	[sflag:s25] =	ssyncset.done $0x0  }
0x175: {  	s0 =	simm.s32 $0x0;
	[sflag:s25] =	ssyncadd.s32 $0xFFFFF000  }
0x176: {  	v0 =	vld [tilespmem:s0+$0x1000]  }
0x177: {  	v1 =	vld [tilespmem:s0+$0x1070]  }
0x178: {  	v2 =	vld [tilespmem:s0+$0x1010]  }
0x179: {  	v3 =	vld [tilespmem:s0+$0x1020]  }
0x17a: {  	v4 =	vld [tilespmem:s0+$0x1030]  }
0x17b: {  	v7 =	vld [tilespmem:s0+$0x1040]  }
0x17c: {  	v8 =	vld [tilespmem:s0+$0x1050]  }
0x17d: {  	v9 =	vld [tilespmem:s0+$0x1060]  }
0x17e: {  	v10 =	vld.idx.msk [tilespmem:v0+s17+$0x0], $0xffff  }
0x17f: {  	v0 =	vld.idx.msk [tilespmem:v1+s17+$0x0], $0xffff  }
0x180: {  	v6 =	vld.idx.msk [tilespmem:v2+s17+$0x0], $0xffff  }
0x181: {  	v5 =	vld.idx.msk [tilespmem:v3+s17+$0x0], $0xffff  }
0x182: {  	v4 =	vld.idx.msk [tilespmem:v4+s17+$0x0], $0xffff  }
0x183: {  	v3 =	vld.idx.msk [tilespmem:v7+s17+$0x0], $0xffff  }
0x184: {  	v2 =	vld.idx.msk [tilespmem:v8+s17+$0x0], $0xffff  }
0x185: {  	s3 =	simm.s32 $0x80;
	v1 =	vld.idx.msk [tilespmem:v9+s17+$0x0], $0xffff;
	[tilespmem:s0+$0x1B770] =	vst v0  }
0x186: {  	s13 =	simm.s32 $0x400;
	v0 =	vld [tilespmem:s3+$0x1000];
	[tilespmem:s0+$0x1B700] =	vst v10  }
.LBB2_15:
0x187: {  	p0 =	sne.s32 s13, $0x3E00;
	v7 =	vld [tilespmem:s3+$0x1070];
	[tilespmem:s0+$0x1B710] =	vst v6  }
0x188: {  	v6 =	vld [tilespmem:s3+$0x1010];
	[tilespmem:s0+$0x1B720] =	vst v5  }
0x189: {  	v5 =	vld [tilespmem:s3+$0x1020];
	[tilespmem:s0+$0x1B730] =	vst v4  }
0x18a: {  	v4 =	vld [tilespmem:s3+$0x1030];
	[tilespmem:s0+$0x1B740] =	vst v3  }
0x18b: {  	v3 =	vld [tilespmem:s3+$0x1040];
	[tilespmem:s0+$0x1B750] =	vst v2  }
0x18c: {  	v2 =	vld [tilespmem:s3+$0x1050];
	[tilespmem:s0+$0x1B760] =	vst v1;
	s0 =	smov.u32 s3  }
0x18d: {  	v1 =	vld [tilespmem:s0+$0x1060]  }
0x18e: {  	v8 =	vld.idx.msk [tilespmem:v0+s17+$0x0], $0xffff  }
0x18f: {  	v0 =	vld.idx.msk [tilespmem:v7+s17+$0x0], $0xffff  }
0x190: {  	v6 =	vld.idx.msk [tilespmem:v6+s17+$0x0], $0xffff  }
0x191: {  	v5 =	vld.idx.msk [tilespmem:v5+s17+$0x0], $0xffff  }
.Ltmp6:
0x192: {  	v4 =	vld.idx.msk [tilespmem:v4+s17+$0x0], $0xffff;
	(pc) =	sbr.rel @p0 .LBB2_15-.Ltmp6, $4  }
0x193: {  	v3 =	vld.idx.msk [tilespmem:v3+s17+$0x0], $0xffff  }
0x194: {  	v2 =	vld.idx.msk [tilespmem:v2+s17+$0x0], $0xffff  }
0x195: {  	s3 =	sshra.s32 s13, $0x2;
	v1 =	vld.idx.msk [tilespmem:v1+s17+$0x0], $0xffff;
	[tilespmem:s0+$0x1B770] =	vst v0  }
0x196: {  	s13 =	sadd.s32 $0x200, s13;
	v0 =	vld [tilespmem:s3+$0x1000];
	[tilespmem:s0+$0x1B700] =	vst v8  }
0x197: {  	_ = 	snop  }
0x198: {  	v7 =	vld [tilespmem:s3+$0x1070];
	[tilespmem:s0+$0x1B710] =	vst v6  }
0x199: {  	v6 =	vld [tilespmem:s3+$0x1010];
	[tilespmem:s0+$0x1B720] =	vst v5  }
0x19a: {  	v5 =	vld [tilespmem:s3+$0x1020];
	[tilespmem:s0+$0x1B730] =	vst v4  }
0x19b: {  	v4 =	vld [tilespmem:s3+$0x1030];
	[tilespmem:s0+$0x1B740] =	vst v3  }
0x19c: {  	v3 =	vld [tilespmem:s3+$0x1040];
	[tilespmem:s0+$0x1B750] =	vst v2  }
0x19d: {  	v2 =	vld [tilespmem:s3+$0x1050];
	[tilespmem:s0+$0x1B760] =	vst v1  }
0x19e: {  	v1 =	vld [tilespmem:s3+$0x1060]  }
0x19f: {  	v0 =	vld.idx.msk [tilespmem:v0+s17+$0x0], $0xffff  }
0x1a0: {  	v7 =	vld.idx.msk [tilespmem:v7+s17+$0x0], $0xffff  }
0x1a1: {  	v6 =	vld.idx.msk [tilespmem:v6+s17+$0x0], $0xffff  }
0x1a2: {  	v5 =	vld.idx.msk [tilespmem:v5+s17+$0x0], $0xffff  }
0x1a3: {  	v4 =	vld.idx.msk [tilespmem:v4+s17+$0x0], $0xffff  }
0x1a4: {  	v3 =	vld.idx.msk [tilespmem:v3+s17+$0x0], $0xffff  }
0x1a5: {  	v2 =	vld.idx.msk [tilespmem:v2+s17+$0x0], $0xffff  }
0x1a6: {  	v1 =	vld.idx.msk [tilespmem:v1+s17+$0x0], $0xffff;
	[tilespmem:s3+$0x1B770] =	vst v7  }
0x1a7: {  	[tilespmem:s3+$0x1B700] =	vst v0  }
0x1a8: {  	[tilespmem:s3+$0x1B710] =	vst v6  }
0x1a9: {  	[tilespmem:s3+$0x1B720] =	vst v5  }
0x1aa: {  	[tilespmem:s3+$0x1B730] =	vst v4  }
0x1ab: {  	[tilespmem:s3+$0x1B740] =	vst v3  }
0x1ac: {  	[tilespmem:s3+$0x1B750] =	vst v2  }
0x1ad: {  	s13 =	sadd.s32 s30, s9;
	[tilespmem:s3+$0x1B760] =	vst v1  }
0x1ae: {  	[hbm4b:s13+s15] =	stream.strided.scatter [tilespmem:s23], [sflag:$0x5], $0x1000, s16, s15, $0x38;
	[tilespmem:$0x1C700] =	vst v63  }
0x1af: {  	s31 =	sadd.s32 s31, s10  }
0x1b0: {  	[tilespmem:s18], [sflag:$0x3] =	stream.strided.gather [hbm4b:s31+s15], $0x1000, s16, s15, $0x38;
	[tilespmem:$0x1C700] =	vst v63  }
0x1b1: {  	_ =	swait.ge [sflag:s20], $0x1000  }
0x1b2: {  	[sflag:s20] =	ssyncset.done $0x0  }
0x1b3: {  	[sflag:s20] =	ssyncadd.s32 $0xFFFFF000  }
0x1b4: {  	_ =	swait.ge [sflag:s24], $0x1000  }
0x1b5: {  	[sflag:s24] =	ssyncset.done $0x0  }
0x1b6: {  	s0 =	simm.s32 $0x0;
	[sflag:s24] =	ssyncadd.s32 $0xFFFFF000  }
0x1b7: {  	v0 =	vld [tilespmem:s0+$0x0]  }
0x1b8: {  	v1 =	vld [tilespmem:s0+$0x70]  }
0x1b9: {  	v2 =	vld [tilespmem:s0+$0x10]  }
0x1ba: {  	v3 =	vld [tilespmem:s0+$0x20]  }
0x1bb: {  	v4 =	vld [tilespmem:s0+$0x30]  }
0x1bc: {  	v7 =	vld [tilespmem:s0+$0x40]  }
0x1bd: {  	v8 =	vld [tilespmem:s0+$0x50]  }
0x1be: {  	v9 =	vld [tilespmem:s0+$0x60]  }
0x1bf: {  	v10 =	vld.idx.msk [tilespmem:v0+s17+$0x0], $0xffff  }
0x1c0: {  	v0 =	vld.idx.msk [tilespmem:v1+s17+$0x0], $0xffff  }
0x1c1: {  	v6 =	vld.idx.msk [tilespmem:v2+s17+$0x0], $0xffff  }
0x1c2: {  	v5 =	vld.idx.msk [tilespmem:v3+s17+$0x0], $0xffff  }
0x1c3: {  	v4 =	vld.idx.msk [tilespmem:v4+s17+$0x0], $0xffff  }
0x1c4: {  	v3 =	vld.idx.msk [tilespmem:v7+s17+$0x0], $0xffff  }
0x1c5: {  	v2 =	vld.idx.msk [tilespmem:v8+s17+$0x0], $0xffff  }
0x1c6: {  	s3 =	simm.s32 $0x80;
	v1 =	vld.idx.msk [tilespmem:v9+s17+$0x0], $0xffff;
	[tilespmem:s0+$0x1A770] =	vst v0  }
0x1c7: {  	s13 =	simm.s32 $0x400;
	v0 =	vld [tilespmem:s3+$0x0];
	[tilespmem:s0+$0x1A700] =	vst v10  }
.LBB2_17:
0x1c8: {  	p0 =	sne.s32 s13, $0x3E00;
	v7 =	vld [tilespmem:s3+$0x70];
	[tilespmem:s0+$0x1A710] =	vst v6  }
0x1c9: {  	v6 =	vld [tilespmem:s3+$0x10];
	[tilespmem:s0+$0x1A720] =	vst v5  }
0x1ca: {  	v5 =	vld [tilespmem:s3+$0x20];
	[tilespmem:s0+$0x1A730] =	vst v4  }
0x1cb: {  	v4 =	vld [tilespmem:s3+$0x30];
	[tilespmem:s0+$0x1A740] =	vst v3  }
0x1cc: {  	v3 =	vld [tilespmem:s3+$0x40];
	[tilespmem:s0+$0x1A750] =	vst v2  }
0x1cd: {  	v2 =	vld [tilespmem:s3+$0x50];
	[tilespmem:s0+$0x1A760] =	vst v1;
	s0 =	smov.u32 s3  }
0x1ce: {  	v1 =	vld [tilespmem:s0+$0x60]  }
0x1cf: {  	v8 =	vld.idx.msk [tilespmem:v0+s17+$0x0], $0xffff  }
0x1d0: {  	v0 =	vld.idx.msk [tilespmem:v7+s17+$0x0], $0xffff  }
0x1d1: {  	v6 =	vld.idx.msk [tilespmem:v6+s17+$0x0], $0xffff  }
0x1d2: {  	v5 =	vld.idx.msk [tilespmem:v5+s17+$0x0], $0xffff  }
.Ltmp7:
0x1d3: {  	v4 =	vld.idx.msk [tilespmem:v4+s17+$0x0], $0xffff;
	(pc) =	sbr.rel @p0 .LBB2_17-.Ltmp7, $4  }
0x1d4: {  	v3 =	vld.idx.msk [tilespmem:v3+s17+$0x0], $0xffff  }
0x1d5: {  	v2 =	vld.idx.msk [tilespmem:v2+s17+$0x0], $0xffff  }
0x1d6: {  	s3 =	sshra.s32 s13, $0x2;
	v1 =	vld.idx.msk [tilespmem:v1+s17+$0x0], $0xffff;
	[tilespmem:s0+$0x1A770] =	vst v0  }
0x1d7: {  	s13 =	sadd.s32 $0x200, s13;
	v0 =	vld [tilespmem:s3+$0x0];
	[tilespmem:s0+$0x1A700] =	vst v8  }
0x1d8: {  	_ = 	snop  }
0x1d9: {  	v7 =	vld [tilespmem:s3+$0x70];
	[tilespmem:s0+$0x1A710] =	vst v6  }
0x1da: {  	v6 =	vld [tilespmem:s3+$0x10];
	[tilespmem:s0+$0x1A720] =	vst v5  }
0x1db: {  	v5 =	vld [tilespmem:s3+$0x20];
	[tilespmem:s0+$0x1A730] =	vst v4  }
0x1dc: {  	v4 =	vld [tilespmem:s3+$0x30];
	[tilespmem:s0+$0x1A740] =	vst v3  }
0x1dd: {  	v3 =	vld [tilespmem:s3+$0x40];
	[tilespmem:s0+$0x1A750] =	vst v2  }
0x1de: {  	v2 =	vld [tilespmem:s3+$0x50];
	[tilespmem:s0+$0x1A760] =	vst v1  }
0x1df: {  	v1 =	vld [tilespmem:s3+$0x60]  }
0x1e0: {  	v0 =	vld.idx.msk [tilespmem:v0+s17+$0x0], $0xffff  }
0x1e1: {  	v7 =	vld.idx.msk [tilespmem:v7+s17+$0x0], $0xffff  }
0x1e2: {  	v6 =	vld.idx.msk [tilespmem:v6+s17+$0x0], $0xffff  }
0x1e3: {  	v5 =	vld.idx.msk [tilespmem:v5+s17+$0x0], $0xffff  }
0x1e4: {  	v4 =	vld.idx.msk [tilespmem:v4+s17+$0x0], $0xffff  }
0x1e5: {  	v3 =	vld.idx.msk [tilespmem:v3+s17+$0x0], $0xffff  }
0x1e6: {  	v2 =	vld.idx.msk [tilespmem:v2+s17+$0x0], $0xffff  }
0x1e7: {  	v1 =	vld.idx.msk [tilespmem:v1+s17+$0x0], $0xffff;
	[tilespmem:s3+$0x1A770] =	vst v7  }
0x1e8: {  	[tilespmem:s3+$0x1A700] =	vst v0  }
0x1e9: {  	[tilespmem:s3+$0x1A710] =	vst v6  }
0x1ea: {  	[tilespmem:s3+$0x1A720] =	vst v5  }
0x1eb: {  	[tilespmem:s3+$0x1A730] =	vst v4  }
0x1ec: {  	[tilespmem:s3+$0x1A740] =	vst v3  }
0x1ed: {  	[tilespmem:s3+$0x1A750] =	vst v2  }
0x1ee: {  	s31 =	sadd.s32 s30, s11;
	[tilespmem:s3+$0x1A760] =	vst v1  }
0x1ef: {  	[hbm4b:s31+s15] =	stream.strided.scatter [tilespmem:s21], [sflag:$0x4], $0x1000, s16, s15, $0x38;
	[tilespmem:$0x1C700] =	vst v63  }
0x1f0: {  	_ =	swait.ge [sflag:s22], $0x1000  }
0x1f1: {  	[sflag:s22] =	ssyncset.done $0x0  }
0x1f2: {  	[sflag:s22] =	ssyncadd.s32 $0xFFFFF000  }
0x1f3: {  	_ =	swait.ge [sflag:s25], $0x1000  }
0x1f4: {  	[sflag:s25] =	ssyncset.done $0x0  }
0x1f5: {  	s0 =	simm.s32 $0x0;
	[sflag:s25] =	ssyncadd.s32 $0xFFFFF000  }
0x1f6: {  	v0 =	vld [tilespmem:s0+$0x1000]  }
0x1f7: {  	v1 =	vld [tilespmem:s0+$0x1070]  }
0x1f8: {  	v2 =	vld [tilespmem:s0+$0x1010]  }
0x1f9: {  	v3 =	vld [tilespmem:s0+$0x1020]  }
0x1fa: {  	v4 =	vld [tilespmem:s0+$0x1030]  }
0x1fb: {  	v7 =	vld [tilespmem:s0+$0x1040]  }
0x1fc: {  	v8 =	vld [tilespmem:s0+$0x1050]  }
0x1fd: {  	v9 =	vld [tilespmem:s0+$0x1060]  }
0x1fe: {  	v10 =	vld.idx.msk [tilespmem:v0+s17+$0x0], $0xffff  }
0x1ff: {  	v0 =	vld.idx.msk [tilespmem:v1+s17+$0x0], $0xffff  }
0x200: {  	v6 =	vld.idx.msk [tilespmem:v2+s17+$0x0], $0xffff  }
0x201: {  	v5 =	vld.idx.msk [tilespmem:v3+s17+$0x0], $0xffff  }
0x202: {  	v4 =	vld.idx.msk [tilespmem:v4+s17+$0x0], $0xffff  }
0x203: {  	v3 =	vld.idx.msk [tilespmem:v7+s17+$0x0], $0xffff  }
0x204: {  	v2 =	vld.idx.msk [tilespmem:v8+s17+$0x0], $0xffff  }
0x205: {  	s3 =	simm.s32 $0x80;
	v1 =	vld.idx.msk [tilespmem:v9+s17+$0x0], $0xffff;
	[tilespmem:s0+$0x1B770] =	vst v0  }
0x206: {  	s13 =	simm.s32 $0x400;
	v0 =	vld [tilespmem:s3+$0x1000];
	[tilespmem:s0+$0x1B700] =	vst v10  }
.LBB2_19:
0x207: {  	p0 =	sne.s32 s13, $0x3E00;
	v7 =	vld [tilespmem:s3+$0x1070];
	[tilespmem:s0+$0x1B710] =	vst v6  }
0x208: {  	v6 =	vld [tilespmem:s3+$0x1010];
	[tilespmem:s0+$0x1B720] =	vst v5  }
0x209: {  	v5 =	vld [tilespmem:s3+$0x1020];
	[tilespmem:s0+$0x1B730] =	vst v4  }
0x20a: {  	v4 =	vld [tilespmem:s3+$0x1030];
	[tilespmem:s0+$0x1B740] =	vst v3  }
0x20b: {  	v3 =	vld [tilespmem:s3+$0x1040];
	[tilespmem:s0+$0x1B750] =	vst v2  }
0x20c: {  	v2 =	vld [tilespmem:s3+$0x1050];
	[tilespmem:s0+$0x1B760] =	vst v1;
	s0 =	smov.u32 s3  }
0x20d: {  	v1 =	vld [tilespmem:s0+$0x1060]  }
0x20e: {  	v8 =	vld.idx.msk [tilespmem:v0+s17+$0x0], $0xffff  }
0x20f: {  	v0 =	vld.idx.msk [tilespmem:v7+s17+$0x0], $0xffff  }
0x210: {  	v6 =	vld.idx.msk [tilespmem:v6+s17+$0x0], $0xffff  }
0x211: {  	v5 =	vld.idx.msk [tilespmem:v5+s17+$0x0], $0xffff  }
.Ltmp8:
0x212: {  	v4 =	vld.idx.msk [tilespmem:v4+s17+$0x0], $0xffff;
	(pc) =	sbr.rel @p0 .LBB2_19-.Ltmp8, $4  }
0x213: {  	v3 =	vld.idx.msk [tilespmem:v3+s17+$0x0], $0xffff  }
0x214: {  	v2 =	vld.idx.msk [tilespmem:v2+s17+$0x0], $0xffff  }
0x215: {  	s3 =	sshra.s32 s13, $0x2;
	v1 =	vld.idx.msk [tilespmem:v1+s17+$0x0], $0xffff;
	[tilespmem:s0+$0x1B770] =	vst v0  }
0x216: {  	s13 =	sadd.s32 $0x200, s13;
	v0 =	vld [tilespmem:s3+$0x1000];
	[tilespmem:s0+$0x1B700] =	vst v8  }
0x217: {  	_ = 	snop  }
0x218: {  	v7 =	vld [tilespmem:s3+$0x1070];
	[tilespmem:s0+$0x1B710] =	vst v6  }
0x219: {  	v6 =	vld [tilespmem:s3+$0x1010];
	[tilespmem:s0+$0x1B720] =	vst v5  }
0x21a: {  	v5 =	vld [tilespmem:s3+$0x1020];
	[tilespmem:s0+$0x1B730] =	vst v4  }
0x21b: {  	v4 =	vld [tilespmem:s3+$0x1030];
	[tilespmem:s0+$0x1B740] =	vst v3  }
0x21c: {  	v3 =	vld [tilespmem:s3+$0x1040];
	[tilespmem:s0+$0x1B750] =	vst v2  }
0x21d: {  	v2 =	vld [tilespmem:s3+$0x1050];
	[tilespmem:s0+$0x1B760] =	vst v1  }
0x21e: {  	v1 =	vld [tilespmem:s3+$0x1060]  }
0x21f: {  	v0 =	vld.idx.msk [tilespmem:v0+s17+$0x0], $0xffff  }
0x220: {  	v7 =	vld.idx.msk [tilespmem:v7+s17+$0x0], $0xffff  }
0x221: {  	v6 =	vld.idx.msk [tilespmem:v6+s17+$0x0], $0xffff  }
0x222: {  	v5 =	vld.idx.msk [tilespmem:v5+s17+$0x0], $0xffff  }
0x223: {  	v4 =	vld.idx.msk [tilespmem:v4+s17+$0x0], $0xffff  }
0x224: {  	v3 =	vld.idx.msk [tilespmem:v3+s17+$0x0], $0xffff  }
0x225: {  	v2 =	vld.idx.msk [tilespmem:v2+s17+$0x0], $0xffff  }
0x226: {  	v1 =	vld.idx.msk [tilespmem:v1+s17+$0x0], $0xffff;
	[tilespmem:s3+$0x1B770] =	vst v7  }
0x227: {  	[tilespmem:s3+$0x1B700] =	vst v0  }
0x228: {  	s29 =	sadd.s32 $0x1, s29;
	[tilespmem:s3+$0x1B710] =	vst v6  }
0x229: {  	p0 =	sne.s32 s29, $0xD;
	[tilespmem:s3+$0x1B720] =	vst v5  }
.Ltmp9:
0x22a: {  	[tilespmem:s3+$0x1B730] =	vst v4;
	(pc) =	sbr.rel @p0 .LBB2_12-.Ltmp9, $4  }
0x22b: {  	[tilespmem:s3+$0x1B740] =	vst v3  }
0x22c: {  	[tilespmem:s3+$0x1B750] =	vst v2  }
0x22d: {  	s31 =	sadd.s32 s30, s12;
	[tilespmem:s3+$0x1B760] =	vst v1  }
0x22e: {  	[hbm4b:s31+s15] =	stream.strided.scatter [tilespmem:s23], [sflag:$0x5], $0x1000, s16, s15, $0x38;
	[tilespmem:$0x1C700] =	vst v63  }
0x22f: {  	_ =	swait.ge [sflag:s24], $0x1000  }
0x230: {  	[sflag:s24] =	ssyncset.done $0x0  }
0x231: {  	[sflag:s24] =	ssyncadd.s32 $0xFFFFF000  }
0x232: {  	_ =	swait.ge [sflag:s25], $0x1000  }
0x233: {  	s26 =	sadd.s32 $0x1, s26;
	s0 =	rddreg [dreg:$0x4]  }
0x234: {  	p0 =	sne.s32 s26, s0  }
.Ltmp10:
0x235: {  	_ = 	snop;
	(pc) =	sbr.rel @p0 .LBB2_1-.Ltmp10, $3  }
0x236: {  	_ =	sdelay $0x1  }
0x237: {  	[sflag:s25] =	ssyncset.done $0x0  }
0x238: {  	[sflag:s25] =	ssyncadd.s32 $0xFFFFF000  }
0x239: {  	_ =	sfence.sel $0x180000  }
0x23a: {  	[bflag:$0x0] =	sbarrier.arrive $0xFFFF  }
0x23b: {  	_ =	strace $0x90000047  }
0x23c: {  	s0 =	stileid.u32;
	[bflag:$0x2] =	sbarrier.arrive $0xFFFF  }
0x23d: {  	p0 =	sne.s32 s0, $0x0;
	s0 =	rddreg [dreg:$0x3]  }
0x23e: {  	s0 =	sadd.s32 @!p0 $0x100000, s0  }
0x23f: {  	[sflag:s0] =	ssyncadd.tile.s32 @!p0 $0x1;
	_ =	shalt  }
.Lfunc_end2:
_tile_overlayer_lowered:
.L_overlay_start_2:
0x240: {  	(tag) =	ssettag $0x2  }
0x241: {  	s0 =	rddreg [dreg:$0x0];
	s2 =	stileid.u32  }
0x242: {  	s1 =	rddreg [dreg:$0x1];
	p0 =	sne.s32 s2, $0x0  }
0x243: {  	s3 =	rddreg [dreg:$0x2];
	[bflag:$0x3] =	sbarrier.arrive $0xFFFF;
	s2 =	simm.s32 @!p0 $0x1C06  }
0x244: {  	[timem:s3], [sflag:s2] =	dma.local @!p0 [hbm:s0], s1  }
0x245: {  	s0 =	simm.s32 @!p0 $0x6  }
0x246: {  	_ =	swait.ge @!p0 [sflag:s0], s1  }
0x247: {  	s1 =	ssub.s32 @!p0 $0x0, s1;
	[sflag:s0] =	ssyncset.done @!p0 $0x0  }
0x248: {  	[sflag:s0] =	ssyncadd.s32 @!p0 s1  }
0x249: {  	[bflag:$0x3] =	sbarrier.arrive $0xFFFF  }
0x24a: {  	_ =	shalt  }

</sc_bundles>
